<compile_context>
chip_gen: v7x
topology: tpu7x:2x2x1
jax: 0.10.2.dev20260603
libtpu: 0.0.44.dev20260713+nightly
codegen_flags: <defaults>
</compile_context>

<pallas_src>
import jax
import jax.numpy as jnp
from jax import lax
from jax.experimental import pallas as pl
from jax.experimental.pallas import tpu as pltpu
from jax.experimental.pallas import tpu_sc as plsc

IN_F = 16384
OUT_F = 4096
NNZ = 131072
B = 256
EPS = 1e-5
NEG_SLOPE = 0.01

NC = 2
NS = 16
NW = NC * NS
L = 16

SB = 4
NPASS = B // (SB * NW)
E = 4096
NCHUNK = NNZ // E
NGRP = E // L
UNROLL = 4


def _sc_body(feat_hbm, packed_hbm, y_hbm,
             fs0, fs1, fs2, fs3, ac0, ac1, ac2, ac3, ac4, ac5, ac6, ac7,
             eb0, eb1, sem, fsem, osem):
    c = lax.axis_index("c")
    s = lax.axis_index("s")
    wid = s * NC + c
    fs = (fs0, fs1, fs2, fs3)
    acc = ((ac0, ac1, ac2, ac3), (ac4, ac5, ac6, ac7))

    def start(k, buf):
        pltpu.async_copy(packed_hbm.at[pl.ds(k * 3 * E, 3 * E)], buf, sem)

    def wait(buf):
        pltpu.make_async_copy(packed_hbm.at[pl.ds(0, 3 * E)], buf, sem).wait()

    for p in range(NPASS):
        ac = acc[p]
        b0 = wid * SB + p * (SB * NW)
        start(0, eb0)
        start(1, eb1)
        fdmas = [pltpu.async_copy(feat_hbm.at[pl.ds((b0 + b) * IN_F, IN_F)],
                                  fs[b], fsem) for b in range(SB)]
        z = jnp.zeros((L,), jnp.float32)

        def zcol(j, cc):
            for b in range(SB):
                for u in range(2):
                    ac[b][pl.ds((j * 2 + u) * L, L)] = z
            return cc

        lax.fori_loop(0, OUT_F // (2 * L), zcol, 0)
        for d in fdmas:
            d.wait()

        def compute(eb):
            @plsc.parallel_loop(0, NGRP, step=1, unroll=UNROLL)
            def grp(g):
                ii = eb[pl.ds(g * L, L)]
                oo = eb[pl.ds(E + g * L, L)]
                ww = plsc.bitcast(eb[pl.ds(2 * E + g * L, L)], jnp.float32)
                for b in range(SB):
                    vals = plsc.load_gather(fs[b], [ii]) * ww
                    plsc.addupdate_scatter(ac[b], [oo], vals)

        def outer(t, cc):
            wait(eb0)
            compute(eb0)
            start(2 * t + 2, eb0)
            wait(eb1)
            compute(eb1)
            start(2 * t + 3, eb1)
            return cc

        lax.fori_loop(0, NCHUNK // 2 - 1, outer, 0)
        wait(eb0)
        compute(eb0)
        wait(eb1)
        compute(eb1)

        for b in range(SB):
            pltpu.async_copy(ac[b], y_hbm.at[pl.ds((b0 + b) * OUT_F, OUT_F)],
                             osem)

    for p in range(NPASS):
        for b in range(SB):
            pltpu.make_async_copy(acc[p][b], y_hbm.at[pl.ds(0, OUT_F)],
                                  osem).wait()


def _sc_call(features, packed):
    mesh = plsc.VectorSubcoreMesh(core_axis_name="c", subcore_axis_name="s",
                                  num_cores=NC, num_subcores=NS)
    f = pl.kernel(
        _sc_body,
        out_type=jax.ShapeDtypeStruct((B * OUT_F,), jnp.float32),
        mesh=mesh,
        compiler_params=pltpu.CompilerParams(needs_layout_passes=False),
        scratch_types=(
            [pltpu.VMEM((IN_F,), jnp.float32) for _ in range(SB)]
            + [pltpu.VMEM((OUT_F,), jnp.float32) for _ in range(NPASS * SB)]
            + [pltpu.VMEM((3 * E,), jnp.int32),
               pltpu.VMEM((3 * E,), jnp.int32),
               pltpu.SemaphoreType.DMA,
               pltpu.SemaphoreType.DMA,
               pltpu.SemaphoreType.DMA]
        ),
    )
    return f(features.reshape(B * IN_F), packed).reshape(B, OUT_F)


def _tc_body(y_ref, bias_ref, o_ref):
    y = y_ref[...] + bias_ref[...]
    mean = jnp.mean(y, axis=0, keepdims=True)
    d = y - mean
    var = jnp.mean(d * d, axis=0, keepdims=True)
    yn = d * lax.rsqrt(var + EPS)
    o_ref[...] = jnp.where(yn >= 0, yn, NEG_SLOPE * yn)


def _tc_call(y_lin, bias):
    bo = 512
    return pl.pallas_call(
        _tc_body,
        grid=(OUT_F // bo,),
        in_specs=[
            pl.BlockSpec((B, bo), lambda i: (0, i)),
            pl.BlockSpec((1, bo), lambda i: (0, i)),
        ],
        out_specs=pl.BlockSpec((B, bo), lambda i: (0, i)),
        out_shape=jax.ShapeDtypeStruct((B, OUT_F), jnp.float32),
    )(y_lin, bias)


@jax.jit
def kernel(features, in_idx, out_idx, weights, bias):
    in_idx = in_idx.astype(jnp.int32)
    out_idx = out_idx.astype(jnp.int32)
    w_bits = lax.bitcast_convert_type(weights, jnp.int32)
    packed = jnp.stack([in_idx.reshape(NCHUNK, E),
                        out_idx.reshape(NCHUNK, E),
                        w_bits.reshape(NCHUNK, E)], axis=1).reshape(-1)
    y_lin = _sc_call(features, packed)
    return _tc_call(y_lin, bias.reshape(1, OUT_F))

# --- scband reference (transcript-rebuilt; emitter-appended) ---
"""Pipeline reference for scband-aeencoder-31774168056077 (READ-ONLY COPY).

The authoritative reference and input builder live on the scoring server;
editing this copy changes nothing except your own understanding.
"""

import jax, jax.numpy as jnp
import numpy as np

IN_FEATURES = 16384
OUT_FEATURES = 4096
NNZ = 131072
BATCH = 256
EPS = 1e-5
NEG_SLOPE = 0.01


def setup_inputs(seed: int = 0) -> dict:
    key = jax.random.key(seed)
    k1, k2, k3, k4, k5 = jax.random.split(key, 5)
    features = jax.random.normal(k1, (BATCH, IN_FEATURES), dtype=jnp.float32)
    in_idx = jax.random.randint(k2, (NNZ,), 0, IN_FEATURES)
    out_idx = jax.random.randint(k3, (NNZ,), 0, OUT_FEATURES)
    # ensure every input and output unit appears in the connectivity at least once
    # (mirrors max(shallow_matrix)+1 sizing of the SparseLinear layer)
    in_idx = in_idx.at[:IN_FEATURES].set(jnp.arange(IN_FEATURES))
    out_idx = out_idx.at[NNZ - OUT_FEATURES:].set(jnp.arange(OUT_FEATURES))
    bound = 1.0 / np.sqrt(IN_FEATURES)
    weights = jax.random.uniform(k4, (NNZ,), dtype=jnp.float32, minval=-bound, maxval=bound)
    bias = jax.random.uniform(k5, (OUT_FEATURES,), dtype=jnp.float32, minval=-bound, maxval=bound)
    return {"features": features, "in_idx": in_idx, "out_idx": out_idx,
            "weights": weights, "bias": bias}


def reference(features, in_idx, out_idx, weights, bias):
    # SparseLinear: y[b, o] = sum_{e: out_idx[e]==o} weights[e] * features[b, in_idx[e]] + bias[o]
    gathered = jnp.take(features, in_idx, axis=1)          # [B, NNZ] gather
    contrib = gathered.T * weights[:, None]                # [NNZ, B]
    y = jax.ops.segment_sum(contrib, out_idx, num_segments=OUT_FEATURES)  # [OUT, B] scatter-add
    y = y.T + bias[None, :]                                # [B, OUT]
    # BatchNorm1d(affine=False), training-mode batch statistics (biased variance)
    mean = jnp.mean(y, axis=0, keepdims=True)
    var = jnp.var(y, axis=0, keepdims=True)
    y = (y - mean) / jnp.sqrt(var + EPS)
    # LeakyReLU
    return jnp.where(y >= 0, y, NEG_SLOPE * y)

if __name__ == "__main__":
    import jax
    _d = setup_inputs()
    print(jax.jit(kernel)(*tuple(_d.values())))

</pallas_src>

<mosaic_0001>
#map = affine_map<(d0, d1) -> (0)>
module attributes {stable_mosaic.version = 14 : i64} {
  func.func @_sc_body(%arg0: i32, %arg1: i32, %arg2: memref<4194304xf32, #tpu.memory_space<hbm>>, %arg3: memref<393216xi32, #tpu.memory_space<hbm>>, %arg4: memref<1048576xf32, #tpu.memory_space<hbm>>, %arg5: memref<16384xf32, #tpu.memory_space<vmem>>, %arg6: memref<16384xf32, #tpu.memory_space<vmem>>, %arg7: memref<16384xf32, #tpu.memory_space<vmem>>, %arg8: memref<16384xf32, #tpu.memory_space<vmem>>, %arg9: memref<4096xf32, #tpu.memory_space<vmem>>, %arg10: memref<4096xf32, #tpu.memory_space<vmem>>, %arg11: memref<4096xf32, #tpu.memory_space<vmem>>, %arg12: memref<4096xf32, #tpu.memory_space<vmem>>, %arg13: memref<4096xf32, #tpu.memory_space<vmem>>, %arg14: memref<4096xf32, #tpu.memory_space<vmem>>, %arg15: memref<4096xf32, #tpu.memory_space<vmem>>, %arg16: memref<4096xf32, #tpu.memory_space<vmem>>, %arg17: memref<12288xi32, #tpu.memory_space<vmem>>, %arg18: memref<12288xi32, #tpu.memory_space<vmem>>, %arg19: memref<!tpu.dma_semaphore, #tpu.memory_space<semaphore_mem>>, %arg20: memref<!tpu.dma_semaphore, #tpu.memory_space<semaphore_mem>>, %arg21: memref<!tpu.dma_semaphore, #tpu.memory_space<semaphore_mem>>) attributes {dimension_semantics = [#tpu.dimension_semantics<core_parallel>, #tpu.dimension_semantics<subcore_parallel>], iteration_bounds = array<i64: 2, 16>, scalar_prefetch = 0 : i64, scratch_operands = 17 : i64, tpu.core_type = #tpu.core_type<sc_vector_subcore>, window_params = [{transform_indices = #map}, {transform_indices = #map}, {transform_indices = #map}]} {
    %mul3A = arith.constant 2 : i32
    %mul3A_0 = arith.muli %arg1, %mul3A : i32
    %add3A = arith.addi %mul3A_0, %arg0 : i32
    %mul3A_1 = arith.constant 4 : i32
    %mul3A_2 = arith.muli %add3A, %mul3A_1 : i32
    %add3A_3 = arith.constant 0 : i32
    %add3A_4 = arith.addi %mul3A_2, %add3A_3 : i32
    %dma_start3A = arith.constant 0 : i32
    %dma_start3A_5 = tpu.memref_slice %arg3[%dma_start3A] : memref<393216xi32, #tpu.memory_space<hbm>> -> memref<12288xi32, #tpu.memory_space<hbm>>
    %dma_start3A_6 = arith.constant 0 : i32
    %dma_start3A_7 = tpu.memref_slice %arg3[%dma_start3A_6] : memref<393216xi32, #tpu.memory_space<hbm>> -> memref<12288xi32, #tpu.memory_space<hbm>>
    tpu.enqueue_dma source(%dma_start3A_7 : memref<12288xi32, #tpu.memory_space<hbm>>) target(%arg17 : memref<12288xi32, #tpu.memory_space<vmem>>) target_semaphore(%arg19 : memref<!tpu.dma_semaphore, #tpu.memory_space<semaphore_mem>>)
    %dma_start3A_8 = arith.constant 12288 : i32
    %dma_start3A_9 = tpu.memref_slice %arg3[%dma_start3A_8] : memref<393216xi32, #tpu.memory_space<hbm>> -> memref<12288xi32, #tpu.memory_space<hbm>>
    %dma_start3A_10 = arith.constant 12288 : i32
    %dma_start3A_11 = tpu.memref_slice %arg3[%dma_start3A_10] : memref<393216xi32, #tpu.memory_space<hbm>> -> memref<12288xi32, #tpu.memory_space<hbm>>
    tpu.enqueue_dma source(%dma_start3A_11 : memref<12288xi32, #tpu.memory_space<hbm>>) target(%arg18 : memref<12288xi32, #tpu.memory_space<vmem>>) target_semaphore(%arg19 : memref<!tpu.dma_semaphore, #tpu.memory_space<semaphore_mem>>)
    %add3A_12 = arith.constant 0 : i32
    %add3A_13 = arith.addi %add3A_4, %add3A_12 : i32
    %mul3A_14 = arith.constant 16384 : i32
    %mul3A_15 = arith.muli %add3A_13, %mul3A_14 : i32
    %dma_start3A_16 = tpu.memref_slice %arg2[%mul3A_15] : memref<4194304xf32, #tpu.memory_space<hbm>> -> memref<16384xf32, #tpu.memory_space<hbm>>
    %dma_start3A_17 = tpu.memref_slice %arg2[%mul3A_15] : memref<4194304xf32, #tpu.memory_space<hbm>> -> memref<16384xf32, #tpu.memory_space<hbm>>
    tpu.enqueue_dma source(%dma_start3A_17 : memref<16384xf32, #tpu.memory_space<hbm>>) target(%arg5 : memref<16384xf32, #tpu.memory_space<vmem>>) target_semaphore(%arg20 : memref<!tpu.dma_semaphore, #tpu.memory_space<semaphore_mem>>)
    %add3A_18 = arith.constant 1 : i32
    %add3A_19 = arith.addi %add3A_4, %add3A_18 : i32
    %mul3A_20 = arith.constant 16384 : i32
    %mul3A_21 = arith.muli %add3A_19, %mul3A_20 : i32
    %dma_start3A_22 = tpu.memref_slice %arg2[%mul3A_21] : memref<4194304xf32, #tpu.memory_space<hbm>> -> memref<16384xf32, #tpu.memory_space<hbm>>
    %dma_start3A_23 = tpu.memref_slice %arg2[%mul3A_21] : memref<4194304xf32, #tpu.memory_space<hbm>> -> memref<16384xf32, #tpu.memory_space<hbm>>
    tpu.enqueue_dma source(%dma_start3A_23 : memref<16384xf32, #tpu.memory_space<hbm>>) target(%arg6 : memref<16384xf32, #tpu.memory_space<vmem>>) target_semaphore(%arg20 : memref<!tpu.dma_semaphore, #tpu.memory_space<semaphore_mem>>)
    %add3A_24 = arith.constant 2 : i32
    %add3A_25 = arith.addi %add3A_4, %add3A_24 : i32
    %mul3A_26 = arith.constant 16384 : i32
    %mul3A_27 = arith.muli %add3A_25, %mul3A_26 : i32
    %dma_start3A_28 = tpu.memref_slice %arg2[%mul3A_27] : memref<4194304xf32, #tpu.memory_space<hbm>> -> memref<16384xf32, #tpu.memory_space<hbm>>
    %dma_start3A_29 = tpu.memref_slice %arg2[%mul3A_27] : memref<4194304xf32, #tpu.memory_space<hbm>> -> memref<16384xf32, #tpu.memory_space<hbm>>
    tpu.enqueue_dma source(%dma_start3A_29 : memref<16384xf32, #tpu.memory_space<hbm>>) target(%arg7 : memref<16384xf32, #tpu.memory_space<vmem>>) target_semaphore(%arg20 : memref<!tpu.dma_semaphore, #tpu.memory_space<semaphore_mem>>)
    %add3A_30 = arith.constant 3 : i32
    %add3A_31 = arith.addi %add3A_4, %add3A_30 : i32
    %mul3A_32 = arith.constant 16384 : i32
    %mul3A_33 = arith.muli %add3A_31, %mul3A_32 : i32
    %dma_start3A_34 = tpu.memref_slice %arg2[%mul3A_33] : memref<4194304xf32, #tpu.memory_space<hbm>> -> memref<16384xf32, #tpu.memory_space<hbm>>
    %dma_start3A_35 = tpu.memref_slice %arg2[%mul3A_33] : memref<4194304xf32, #tpu.memory_space<hbm>> -> memref<16384xf32, #tpu.memory_space<hbm>>
    tpu.enqueue_dma source(%dma_start3A_35 : memref<16384xf32, #tpu.memory_space<hbm>>) target(%arg8 : memref<16384xf32, #tpu.memory_space<vmem>>) target_semaphore(%arg20 : memref<!tpu.dma_semaphore, #tpu.memory_space<semaphore_mem>>)
    %broadcast_in_dim3A = arith.constant 0.000000e+00 : f32
    %broadcast_in_dim3A_36 = vector.broadcast %broadcast_in_dim3A : f32 to vector<16xf32>
    %scan3A = arith.constant 0 : i32
    %scan3A_37 = arith.constant 0 : i32
    %scan3A_38 = arith.constant 128 : i32
    %scan3A_39 = arith.addi %scan3A_37, %scan3A_38 : i32
    %scan3A_40 = arith.constant 1 : i32
    scf.for %scan3A_220 = %scan3A_37 to %scan3A_39 step %scan3A_40  : i32 {
      %mul3A_221 = arith.constant 2 : i32
      %mul3A_222 = arith.muli %scan3A_220, %mul3A_221 : i32
      %add3A_223 = arith.constant 0 : i32
      %add3A_224 = arith.addi %mul3A_222, %add3A_223 : i32
      %mul3A_225 = arith.constant 16 : i32
      %mul3A_226 = arith.muli %add3A_224, %mul3A_225 : i32
      %swap3A = arith.index_cast %mul3A_226 : i32 to index
      %swap3A_227 = tpu.vector_load %arg9[%swap3A] {strides = array<i32>} : memref<4096xf32, #tpu.memory_space<vmem>>, vector<16xf32>,
      tpu.vector_store %arg9[%swap3A], %broadcast_in_dim3A_36 {strides = array<i32>} : memref<4096xf32, #tpu.memory_space<vmem>>, vector<16xf32>,
      %mul3A_228 = arith.constant 2 : i32
      %mul3A_229 = arith.muli %scan3A_220, %mul3A_228 : i32
      %add3A_230 = arith.constant 1 : i32
      %add3A_231 = arith.addi %mul3A_229, %add3A_230 : i32
      %mul3A_232 = arith.constant 16 : i32
      %mul3A_233 = arith.muli %add3A_231, %mul3A_232 : i32
      %swap3A_234 = arith.index_cast %mul3A_233 : i32 to index
      %swap3A_235 = tpu.vector_load %arg9[%swap3A_234] {strides = array<i32>} : memref<4096xf32, #tpu.memory_space<vmem>>, vector<16xf32>,
      tpu.vector_store %arg9[%swap3A_234], %broadcast_in_dim3A_36 {strides = array<i32>} : memref<4096xf32, #tpu.memory_space<vmem>>, vector<16xf32>,
      %mul3A_236 = arith.constant 2 : i32
      %mul3A_237 = arith.muli %scan3A_220, %mul3A_236 : i32
      %add3A_238 = arith.constant 0 : i32
      %add3A_239 = arith.addi %mul3A_237, %add3A_238 : i32
      %mul3A_240 = arith.constant 16 : i32
      %mul3A_241 = arith.muli %add3A_239, %mul3A_240 : i32
      %swap3A_242 = arith.index_cast %mul3A_241 : i32 to index
      %swap3A_243 = tpu.vector_load %arg10[%swap3A_242] {strides = array<i32>} : memref<4096xf32, #tpu.memory_space<vmem>>, vector<16xf32>,
      tpu.vector_store %arg10[%swap3A_242], %broadcast_in_dim3A_36 {strides = array<i32>} : memref<4096xf32, #tpu.memory_space<vmem>>, vector<16xf32>,
      %mul3A_244 = arith.constant 2 : i32
      %mul3A_245 = arith.muli %scan3A_220, %mul3A_244 : i32
      %add3A_246 = arith.constant 1 : i32
      %add3A_247 = arith.addi %mul3A_245, %add3A_246 : i32
      %mul3A_248 = arith.constant 16 : i32
      %mul3A_249 = arith.muli %add3A_247, %mul3A_248 : i32
      %swap3A_250 = arith.index_cast %mul3A_249 : i32 to index
      %swap3A_251 = tpu.vector_load %arg10[%swap3A_250] {strides = array<i32>} : memref<4096xf32, #tpu.memory_space<vmem>>, vector<16xf32>,
      tpu.vector_store %arg10[%swap3A_250], %broadcast_in_dim3A_36 {strides = array<i32>} : memref<4096xf32, #tpu.memory_space<vmem>>, vector<16xf32>,
      %mul3A_252 = arith.constant 2 : i32
      %mul3A_253 = arith.muli %scan3A_220, %mul3A_252 : i32
      %add3A_254 = arith.constant 0 : i32
      %add3A_255 = arith.addi %mul3A_253, %add3A_254 : i32
      %mul3A_256 = arith.constant 16 : i32
      %mul3A_257 = arith.muli %add3A_255, %mul3A_256 : i32
      %swap3A_258 = arith.index_cast %mul3A_257 : i32 to index
      %swap3A_259 = tpu.vector_load %arg11[%swap3A_258] {strides = array<i32>} : memref<4096xf32, #tpu.memory_space<vmem>>, vector<16xf32>,
      tpu.vector_store %arg11[%swap3A_258], %broadcast_in_dim3A_36 {strides = array<i32>} : memref<4096xf32, #tpu.memory_space<vmem>>, vector<16xf32>,
      %mul3A_260 = arith.constant 2 : i32
      %mul3A_261 = arith.muli %scan3A_220, %mul3A_260 : i32
      %add3A_262 = arith.constant 1 : i32
      %add3A_263 = arith.addi %mul3A_261, %add3A_262 : i32
      %mul3A_264 = arith.constant 16 : i32
      %mul3A_265 = arith.muli %add3A_263, %mul3A_264 : i32
      %swap3A_266 = arith.index_cast %mul3A_265 : i32 to index
      %swap3A_267 = tpu.vector_load %arg11[%swap3A_266] {strides = array<i32>} : memref<4096xf32, #tpu.memory_space<vmem>>, vector<16xf32>,
      tpu.vector_store %arg11[%swap3A_266], %broadcast_in_dim3A_36 {strides = array<i32>} : memref<4096xf32, #tpu.memory_space<vmem>>, vector<16xf32>,
      %mul3A_268 = arith.constant 2 : i32
      %mul3A_269 = arith.muli %scan3A_220, %mul3A_268 : i32
      %add3A_270 = arith.constant 0 : i32
      %add3A_271 = arith.addi %mul3A_269, %add3A_270 : i32
      %mul3A_272 = arith.constant 16 : i32
      %mul3A_273 = arith.muli %add3A_271, %mul3A_272 : i32
      %swap3A_274 = arith.index_cast %mul3A_273 : i32 to index
      %swap3A_275 = tpu.vector_load %arg12[%swap3A_274] {strides = array<i32>} : memref<4096xf32, #tpu.memory_space<vmem>>, vector<16xf32>,
      tpu.vector_store %arg12[%swap3A_274], %broadcast_in_dim3A_36 {strides = array<i32>} : memref<4096xf32, #tpu.memory_space<vmem>>, vector<16xf32>,
      %mul3A_276 = arith.constant 2 : i32
      %mul3A_277 = arith.muli %scan3A_220, %mul3A_276 : i32
      %add3A_278 = arith.constant 1 : i32
      %add3A_279 = arith.addi %mul3A_277, %add3A_278 : i32
      %mul3A_280 = arith.constant 16 : i32
      %mul3A_281 = arith.muli %add3A_279, %mul3A_280 : i32
      %swap3A_282 = arith.index_cast %mul3A_281 : i32 to index
      %swap3A_283 = tpu.vector_load %arg12[%swap3A_282] {strides = array<i32>} : memref<4096xf32, #tpu.memory_space<vmem>>, vector<16xf32>,
      tpu.vector_store %arg12[%swap3A_282], %broadcast_in_dim3A_36 {strides = array<i32>} : memref<4096xf32, #tpu.memory_space<vmem>>, vector<16xf32>,
    }
    %scan3A_41 = arith.constant 128 : i32
    %dma_wait3A = tpu.memref_slice %arg2[%mul3A_15] : memref<4194304xf32, #tpu.memory_space<hbm>> -> memref<16384xf32, #tpu.memory_space<hbm>>
    %dma_wait3A_42 = tpu.memref_slice %arg2[%mul3A_15] : memref<4194304xf32, #tpu.memory_space<hbm>> -> memref<16384xf32, #tpu.memory_space<hbm>>
    tpu.wait_dma2 semaphore(%arg20 : memref<!tpu.dma_semaphore, #tpu.memory_space<semaphore_mem>>) src(%dma_wait3A_42 : memref<16384xf32, #tpu.memory_space<hbm>>) dst(%arg5 : memref<16384xf32, #tpu.memory_space<vmem>>)
    %dma_wait3A_43 = tpu.memref_slice %arg2[%mul3A_21] : memref<4194304xf32, #tpu.memory_space<hbm>> -> memref<16384xf32, #tpu.memory_space<hbm>>
    %dma_wait3A_44 = tpu.memref_slice %arg2[%mul3A_21] : memref<4194304xf32, #tpu.memory_space<hbm>> -> memref<16384xf32, #tpu.memory_space<hbm>>
    tpu.wait_dma2 semaphore(%arg20 : memref<!tpu.dma_semaphore, #tpu.memory_space<semaphore_mem>>) src(%dma_wait3A_44 : memref<16384xf32, #tpu.memory_space<hbm>>) dst(%arg6 : memref<16384xf32, #tpu.memory_space<vmem>>)
    %dma_wait3A_45 = tpu.memref_slice %arg2[%mul3A_27] : memref<4194304xf32, #tpu.memory_space<hbm>> -> memref<16384xf32, #tpu.memory_space<hbm>>
    %dma_wait3A_46 = tpu.memref_slice %arg2[%mul3A_27] : memref<4194304xf32, #tpu.memory_space<hbm>> -> memref<16384xf32, #tpu.memory_space<hbm>>
    tpu.wait_dma2 semaphore(%arg20 : memref<!tpu.dma_semaphore, #tpu.memory_space<semaphore_mem>>) src(%dma_wait3A_46 : memref<16384xf32, #tpu.memory_space<hbm>>) dst(%arg7 : memref<16384xf32, #tpu.memory_space<vmem>>)
    %dma_wait3A_47 = tpu.memref_slice %arg2[%mul3A_33] : memref<4194304xf32, #tpu.memory_space<hbm>> -> memref<16384xf32, #tpu.memory_space<hbm>>
    %dma_wait3A_48 = tpu.memref_slice %arg2[%mul3A_33] : memref<4194304xf32, #tpu.memory_space<hbm>> -> memref<16384xf32, #tpu.memory_space<hbm>>
    tpu.wait_dma2 semaphore(%arg20 : memref<!tpu.dma_semaphore, #tpu.memory_space<semaphore_mem>>) src(%dma_wait3A_48 : memref<16384xf32, #tpu.memory_space<hbm>>) dst(%arg8 : memref<16384xf32, #tpu.memory_space<vmem>>)
    %scan3A_49 = arith.constant 0 : i32
    %scan3A_50 = arith.constant 0 : i32
    %scan3A_51 = arith.constant 15 : i32
    %scan3A_52 = arith.addi %scan3A_50, %scan3A_51 : i32
    %scan3A_53 = arith.constant 1 : i32
    scf.for %scan3A_220 = %scan3A_50 to %scan3A_52 step %scan3A_53  : i32 {
      %dma_wait3A_221 = arith.constant 0 : i32
      %dma_wait3A_222 = tpu.memref_slice %arg3[%dma_wait3A_221] : memref<393216xi32, #tpu.memory_space<hbm>> -> memref<12288xi32, #tpu.memory_space<hbm>>
      %dma_wait3A_223 = arith.constant 0 : i32
      %dma_wait3A_224 = tpu.memref_slice %arg3[%dma_wait3A_223] : memref<393216xi32, #tpu.memory_space<hbm>> -> memref<12288xi32, #tpu.memory_space<hbm>>
      tpu.wait_dma2 semaphore(%arg19 : memref<!tpu.dma_semaphore, #tpu.memory_space<semaphore_mem>>) src(%dma_wait3A_224 : memref<12288xi32, #tpu.memory_space<hbm>>) dst(%arg17 : memref<12288xi32, #tpu.memory_space<vmem>>)
      %parallel_loop3A_225 = arith.constant 0 : i32
      %parallel_loop3A_226 = arith.constant 256 : i32
      %parallel_loop3A_227 = arith.constant 1 : i32
      scf.for %parallel_loop3A_255 = %parallel_loop3A_225 to %parallel_loop3A_226 step %parallel_loop3A_227  : i32 {
        %parallel_loop3A_256 = arith.constant 16 : i32
        %parallel_loop3A_257 = arith.muli %parallel_loop3A_255, %parallel_loop3A_256 : i32
        %parallel_loop3A_258 = arith.index_cast %parallel_loop3A_257 : i32 to index
        %parallel_loop3A_259 = tpu.vector_load %arg17[%parallel_loop3A_258] {strides = array<i32>} : memref<12288xi32, #tpu.memory_space<vmem>>, vector<16xi32>,
        %parallel_loop3A_260 = arith.constant 16 : i32
        %parallel_loop3A_261 = arith.muli %parallel_loop3A_255, %parallel_loop3A_260 : i32
        %parallel_loop3A_262 = arith.constant 4096 : i32
        %parallel_loop3A_263 = arith.addi %parallel_loop3A_262, %parallel_loop3A_261 : i32
        %parallel_loop3A_264 = arith.index_cast %parallel_loop3A_263 : i32 to index
        %parallel_loop3A_265 = tpu.vector_load %arg17[%parallel_loop3A_264] {strides = array<i32>} : memref<12288xi32, #tpu.memory_space<vmem>>, vector<16xi32>,
        %parallel_loop3A_266 = arith.constant 16 : i32
        %parallel_loop3A_267 = arith.muli %parallel_loop3A_255, %parallel_loop3A_266 : i32
        %parallel_loop3A_268 = arith.constant 8192 : i32
        %parallel_loop3A_269 = arith.addi %parallel_loop3A_268, %parallel_loop3A_267 : i32
        %parallel_loop3A_270 = arith.index_cast %parallel_loop3A_269 : i32 to index
        %parallel_loop3A_271 = tpu.vector_load %arg17[%parallel_loop3A_270] {strides = array<i32>} : memref<12288xi32, #tpu.memory_space<vmem>>, vector<16xi32>,
        %parallel_loop3A_272 = vector.bitcast %parallel_loop3A_271 : vector<16xi32> to vector<16xf32>
        %parallel_loop3A_273 = tpu.vector_load_idx %arg5[%parallel_loop3A_259] : memref<16384xf32, #tpu.memory_space<vmem>>[vector<16xi32>], vector<16xf32>,
        %parallel_loop3A_274 = arith.mulf %parallel_loop3A_273, %parallel_loop3A_272 : vector<16xf32>
        tpu.vector_store_idx %arg9[%parallel_loop3A_265], %parallel_loop3A_274 {add = true} : memref<4096xf32, #tpu.memory_space<vmem>>[vector<16xi32>], vector<16xf32>,
        %parallel_loop3A_275 = tpu.vector_load_idx %arg6[%parallel_loop3A_259] : memref<16384xf32, #tpu.memory_space<vmem>>[vector<16xi32>], vector<16xf32>,
        %parallel_loop3A_276 = arith.mulf %parallel_loop3A_275, %parallel_loop3A_272 : vector<16xf32>
        tpu.vector_store_idx %arg10[%parallel_loop3A_265], %parallel_loop3A_276 {add = true} : memref<4096xf32, #tpu.memory_space<vmem>>[vector<16xi32>], vector<16xf32>,
        %parallel_loop3A_277 = tpu.vector_load_idx %arg7[%parallel_loop3A_259] : memref<16384xf32, #tpu.memory_space<vmem>>[vector<16xi32>], vector<16xf32>,
        %parallel_loop3A_278 = arith.mulf %parallel_loop3A_277, %parallel_loop3A_272 : vector<16xf32>
        tpu.vector_store_idx %arg11[%parallel_loop3A_265], %parallel_loop3A_278 {add = true} : memref<4096xf32, #tpu.memory_space<vmem>>[vector<16xi32>], vector<16xf32>,
        %parallel_loop3A_279 = tpu.vector_load_idx %arg8[%parallel_loop3A_259] : memref<16384xf32, #tpu.memory_space<vmem>>[vector<16xi32>], vector<16xf32>,
        %parallel_loop3A_280 = arith.mulf %parallel_loop3A_279, %parallel_loop3A_272 : vector<16xf32>
        tpu.vector_store_idx %arg12[%parallel_loop3A_265], %parallel_loop3A_280 {add = true} : memref<4096xf32, #tpu.memory_space<vmem>>[vector<16xi32>], vector<16xf32>,
      } {sc.loop_unroll_factor = 4 : i64, sc.parallel_access}
      %mul3A_228 = arith.constant 2 : i32
      %mul3A_229 = arith.muli %mul3A_228, %scan3A_220 : i32
      %add3A_230 = arith.constant 2 : i32
      %add3A_231 = arith.addi %mul3A_229, %add3A_230 : i32
      %mul3A_232 = arith.constant 3 : i32
      %mul3A_233 = arith.muli %add3A_231, %mul3A_232 : i32
      %mul3A_234 = arith.constant 4096 : i32
      %mul3A_235 = arith.muli %mul3A_233, %mul3A_234 : i32
      %dma_start3A_236 = tpu.memref_slice %arg3[%mul3A_235] : memref<393216xi32, #tpu.memory_space<hbm>> -> memref<12288xi32, #tpu.memory_space<hbm>>
      %dma_start3A_237 = tpu.memref_slice %arg3[%mul3A_235] : memref<393216xi32, #tpu.memory_space<hbm>> -> memref<12288xi32, #tpu.memory_space<hbm>>
      tpu.enqueue_dma source(%dma_start3A_237 : memref<12288xi32, #tpu.memory_space<hbm>>) target(%arg17 : memref<12288xi32, #tpu.memory_space<vmem>>) target_semaphore(%arg19 : memref<!tpu.dma_semaphore, #tpu.memory_space<semaphore_mem>>)
      %dma_wait3A_238 = arith.constant 0 : i32
      %dma_wait3A_239 = tpu.memref_slice %arg3[%dma_wait3A_238] : memref<393216xi32, #tpu.memory_space<hbm>> -> memref<12288xi32, #tpu.memory_space<hbm>>
      %dma_wait3A_240 = arith.constant 0 : i32
      %dma_wait3A_241 = tpu.memref_slice %arg3[%dma_wait3A_240] : memref<393216xi32, #tpu.memory_space<hbm>> -> memref<12288xi32, #tpu.memory_space<hbm>>
      tpu.wait_dma2 semaphore(%arg19 : memref<!tpu.dma_semaphore, #tpu.memory_space<semaphore_mem>>) src(%dma_wait3A_241 : memref<12288xi32, #tpu.memory_space<hbm>>) dst(%arg18 : memref<12288xi32, #tpu.memory_space<vmem>>)
      %parallel_loop3A_242 = arith.constant 0 : i32
      %parallel_loop3A_243 = arith.constant 256 : i32
      %parallel_loop3A_244 = arith.constant 1 : i32
      scf.for %parallel_loop3A_255 = %parallel_loop3A_242 to %parallel_loop3A_243 step %parallel_loop3A_244  : i32 {
        %parallel_loop3A_256 = arith.constant 16 : i32
        %parallel_loop3A_257 = arith.muli %parallel_loop3A_255, %parallel_loop3A_256 : i32
        %parallel_loop3A_258 = arith.index_cast %parallel_loop3A_257 : i32 to index
        %parallel_loop3A_259 = tpu.vector_load %arg18[%parallel_loop3A_258] {strides = array<i32>} : memref<12288xi32, #tpu.memory_space<vmem>>, vector<16xi32>,
        %parallel_loop3A_260 = arith.constant 16 : i32
        %parallel_loop3A_261 = arith.muli %parallel_loop3A_255, %parallel_loop3A_260 : i32
        %parallel_loop3A_262 = arith.constant 4096 : i32
        %parallel_loop3A_263 = arith.addi %parallel_loop3A_262, %parallel_loop3A_261 : i32
        %parallel_loop3A_264 = arith.index_cast %parallel_loop3A_263 : i32 to index
        %parallel_loop3A_265 = tpu.vector_load %arg18[%parallel_loop3A_264] {strides = array<i32>} : memref<12288xi32, #tpu.memory_space<vmem>>, vector<16xi32>,
        %parallel_loop3A_266 = arith.constant 16 : i32
        %parallel_loop3A_267 = arith.muli %parallel_loop3A_255, %parallel_loop3A_266 : i32
        %parallel_loop3A_268 = arith.constant 8192 : i32
        %parallel_loop3A_269 = arith.addi %parallel_loop3A_268, %parallel_loop3A_267 : i32
        %parallel_loop3A_270 = arith.index_cast %parallel_loop3A_269 : i32 to index
        %parallel_loop3A_271 = tpu.vector_load %arg18[%parallel_loop3A_270] {strides = array<i32>} : memref<12288xi32, #tpu.memory_space<vmem>>, vector<16xi32>,
        %parallel_loop3A_272 = vector.bitcast %parallel_loop3A_271 : vector<16xi32> to vector<16xf32>
        %parallel_loop3A_273 = tpu.vector_load_idx %arg5[%parallel_loop3A_259] : memref<16384xf32, #tpu.memory_space<vmem>>[vector<16xi32>], vector<16xf32>,
        %parallel_loop3A_274 = arith.mulf %parallel_loop3A_273, %parallel_loop3A_272 : vector<16xf32>
        tpu.vector_store_idx %arg9[%parallel_loop3A_265], %parallel_loop3A_274 {add = true} : memref<4096xf32, #tpu.memory_space<vmem>>[vector<16xi32>], vector<16xf32>,
        %parallel_loop3A_275 = tpu.vector_load_idx %arg6[%parallel_loop3A_259] : memref<16384xf32, #tpu.memory_space<vmem>>[vector<16xi32>], vector<16xf32>,
        %parallel_loop3A_276 = arith.mulf %parallel_loop3A_275, %parallel_loop3A_272 : vector<16xf32>
        tpu.vector_store_idx %arg10[%parallel_loop3A_265], %parallel_loop3A_276 {add = true} : memref<4096xf32, #tpu.memory_space<vmem>>[vector<16xi32>], vector<16xf32>,
        %parallel_loop3A_277 = tpu.vector_load_idx %arg7[%parallel_loop3A_259] : memref<16384xf32, #tpu.memory_space<vmem>>[vector<16xi32>], vector<16xf32>,
        %parallel_loop3A_278 = arith.mulf %parallel_loop3A_277, %parallel_loop3A_272 : vector<16xf32>
        tpu.vector_store_idx %arg11[%parallel_loop3A_265], %parallel_loop3A_278 {add = true} : memref<4096xf32, #tpu.memory_space<vmem>>[vector<16xi32>], vector<16xf32>,
        %parallel_loop3A_279 = tpu.vector_load_idx %arg8[%parallel_loop3A_259] : memref<16384xf32, #tpu.memory_space<vmem>>[vector<16xi32>], vector<16xf32>,
        %parallel_loop3A_280 = arith.mulf %parallel_loop3A_279, %parallel_loop3A_272 : vector<16xf32>
        tpu.vector_store_idx %arg12[%parallel_loop3A_265], %parallel_loop3A_280 {add = true} : memref<4096xf32, #tpu.memory_space<vmem>>[vector<16xi32>], vector<16xf32>,
      } {sc.loop_unroll_factor = 4 : i64, sc.parallel_access}
      %mul3A_245 = arith.constant 2 : i32
      %mul3A_246 = arith.muli %mul3A_245, %scan3A_220 : i32
      %add3A_247 = arith.constant 3 : i32
      %add3A_248 = arith.addi %mul3A_246, %add3A_247 : i32
      %mul3A_249 = arith.constant 3 : i32
      %mul3A_250 = arith.muli %add3A_248, %mul3A_249 : i32
      %mul3A_251 = arith.constant 4096 : i32
      %mul3A_252 = arith.muli %mul3A_250, %mul3A_251 : i32
      %dma_start3A_253 = tpu.memref_slice %arg3[%mul3A_252] : memref<393216xi32, #tpu.memory_space<hbm>> -> memref<12288xi32, #tpu.memory_space<hbm>>
      %dma_start3A_254 = tpu.memref_slice %arg3[%mul3A_252] : memref<393216xi32, #tpu.memory_space<hbm>> -> memref<12288xi32, #tpu.memory_space<hbm>>
      tpu.enqueue_dma source(%dma_start3A_254 : memref<12288xi32, #tpu.memory_space<hbm>>) target(%arg18 : memref<12288xi32, #tpu.memory_space<vmem>>) target_semaphore(%arg19 : memref<!tpu.dma_semaphore, #tpu.memory_space<semaphore_mem>>)
    }
    %scan3A_54 = arith.constant 15 : i32
    %dma_wait3A_55 = arith.constant 0 : i32
    %dma_wait3A_56 = tpu.memref_slice %arg3[%dma_wait3A_55] : memref<393216xi32, #tpu.memory_space<hbm>> -> memref<12288xi32, #tpu.memory_space<hbm>>
    %dma_wait3A_57 = arith.constant 0 : i32
    %dma_wait3A_58 = tpu.memref_slice %arg3[%dma_wait3A_57] : memref<393216xi32, #tpu.memory_space<hbm>> -> memref<12288xi32, #tpu.memory_space<hbm>>
    tpu.wait_dma2 semaphore(%arg19 : memref<!tpu.dma_semaphore, #tpu.memory_space<semaphore_mem>>) src(%dma_wait3A_58 : memref<12288xi32, #tpu.memory_space<hbm>>) dst(%arg17 : memref<12288xi32, #tpu.memory_space<vmem>>)
    %parallel_loop3A = arith.constant 0 : i32
    %parallel_loop3A_59 = arith.constant 256 : i32
    %parallel_loop3A_60 = arith.constant 1 : i32
    scf.for %parallel_loop3A_220 = %parallel_loop3A to %parallel_loop3A_59 step %parallel_loop3A_60  : i32 {
      %parallel_loop3A_221 = arith.constant 16 : i32
      %parallel_loop3A_222 = arith.muli %parallel_loop3A_220, %parallel_loop3A_221 : i32
      %parallel_loop3A_223 = arith.index_cast %parallel_loop3A_222 : i32 to index
      %parallel_loop3A_224 = tpu.vector_load %arg17[%parallel_loop3A_223] {strides = array<i32>} : memref<12288xi32, #tpu.memory_space<vmem>>, vector<16xi32>,
      %parallel_loop3A_225 = arith.constant 16 : i32
      %parallel_loop3A_226 = arith.muli %parallel_loop3A_220, %parallel_loop3A_225 : i32
      %parallel_loop3A_227 = arith.constant 4096 : i32
      %parallel_loop3A_228 = arith.addi %parallel_loop3A_227, %parallel_loop3A_226 : i32
      %parallel_loop3A_229 = arith.index_cast %parallel_loop3A_228 : i32 to index
      %parallel_loop3A_230 = tpu.vector_load %arg17[%parallel_loop3A_229] {strides = array<i32>} : memref<12288xi32, #tpu.memory_space<vmem>>, vector<16xi32>,
      %parallel_loop3A_231 = arith.constant 16 : i32
      %parallel_loop3A_232 = arith.muli %parallel_loop3A_220, %parallel_loop3A_231 : i32
      %parallel_loop3A_233 = arith.constant 8192 : i32
      %parallel_loop3A_234 = arith.addi %parallel_loop3A_233, %parallel_loop3A_232 : i32
      %parallel_loop3A_235 = arith.index_cast %parallel_loop3A_234 : i32 to index
      %parallel_loop3A_236 = tpu.vector_load %arg17[%parallel_loop3A_235] {strides = array<i32>} : memref<12288xi32, #tpu.memory_space<vmem>>, vector<16xi32>,
      %parallel_loop3A_237 = vector.bitcast %parallel_loop3A_236 : vector<16xi32> to vector<16xf32>
      %parallel_loop3A_238 = tpu.vector_load_idx %arg5[%parallel_loop3A_224] : memref<16384xf32, #tpu.memory_space<vmem>>[vector<16xi32>], vector<16xf32>,
      %parallel_loop3A_239 = arith.mulf %parallel_loop3A_238, %parallel_loop3A_237 : vector<16xf32>
      tpu.vector_store_idx %arg9[%parallel_loop3A_230], %parallel_loop3A_239 {add = true} : memref<4096xf32, #tpu.memory_space<vmem>>[vector<16xi32>], vector<16xf32>,
      %parallel_loop3A_240 = tpu.vector_load_idx %arg6[%parallel_loop3A_224] : memref<16384xf32, #tpu.memory_space<vmem>>[vector<16xi32>], vector<16xf32>,
      %parallel_loop3A_241 = arith.mulf %parallel_loop3A_240, %parallel_loop3A_237 : vector<16xf32>
      tpu.vector_store_idx %arg10[%parallel_loop3A_230], %parallel_loop3A_241 {add = true} : memref<4096xf32, #tpu.memory_space<vmem>>[vector<16xi32>], vector<16xf32>,
      %parallel_loop3A_242 = tpu.vector_load_idx %arg7[%parallel_loop3A_224] : memref<16384xf32, #tpu.memory_space<vmem>>[vector<16xi32>], vector<16xf32>,
      %parallel_loop3A_243 = arith.mulf %parallel_loop3A_242, %parallel_loop3A_237 : vector<16xf32>
      tpu.vector_store_idx %arg11[%parallel_loop3A_230], %parallel_loop3A_243 {add = true} : memref<4096xf32, #tpu.memory_space<vmem>>[vector<16xi32>], vector<16xf32>,
      %parallel_loop3A_244 = tpu.vector_load_idx %arg8[%parallel_loop3A_224] : memref<16384xf32, #tpu.memory_space<vmem>>[vector<16xi32>], vector<16xf32>,
      %parallel_loop3A_245 = arith.mulf %parallel_loop3A_244, %parallel_loop3A_237 : vector<16xf32>
      tpu.vector_store_idx %arg12[%parallel_loop3A_230], %parallel_loop3A_245 {add = true} : memref<4096xf32, #tpu.memory_space<vmem>>[vector<16xi32>], vector<16xf32>,
    } {sc.loop_unroll_factor = 4 : i64, sc.parallel_access}
    %dma_wait3A_61 = arith.constant 0 : i32
    %dma_wait3A_62 = tpu.memref_slice %arg3[%dma_wait3A_61] : memref<393216xi32, #tpu.memory_space<hbm>> -> memref<12288xi32, #tpu.memory_space<hbm>>
    %dma_wait3A_63 = arith.constant 0 : i32
    %dma_wait3A_64 = tpu.memref_slice %arg3[%dma_wait3A_63] : memref<393216xi32, #tpu.memory_space<hbm>> -> memref<12288xi32, #tpu.memory_space<hbm>>
    tpu.wait_dma2 semaphore(%arg19 : memref<!tpu.dma_semaphore, #tpu.memory_space<semaphore_mem>>) src(%dma_wait3A_64 : memref<12288xi32, #tpu.memory_space<hbm>>) dst(%arg18 : memref<12288xi32, #tpu.memory_space<vmem>>)
    %parallel_loop3A_65 = arith.constant 0 : i32
    %parallel_loop3A_66 = arith.constant 256 : i32
    %parallel_loop3A_67 = arith.constant 1 : i32
    scf.for %parallel_loop3A_220 = %parallel_loop3A_65 to %parallel_loop3A_66 step %parallel_loop3A_67  : i32 {
      %parallel_loop3A_221 = arith.constant 16 : i32
      %parallel_loop3A_222 = arith.muli %parallel_loop3A_220, %parallel_loop3A_221 : i32
      %parallel_loop3A_223 = arith.index_cast %parallel_loop3A_222 : i32 to index
      %parallel_loop3A_224 = tpu.vector_load %arg18[%parallel_loop3A_223] {strides = array<i32>} : memref<12288xi32, #tpu.memory_space<vmem>>, vector<16xi32>,
      %parallel_loop3A_225 = arith.constant 16 : i32
      %parallel_loop3A_226 = arith.muli %parallel_loop3A_220, %parallel_loop3A_225 : i32
      %parallel_loop3A_227 = arith.constant 4096 : i32
      %parallel_loop3A_228 = arith.addi %parallel_loop3A_227, %parallel_loop3A_226 : i32
      %parallel_loop3A_229 = arith.index_cast %parallel_loop3A_228 : i32 to index
      %parallel_loop3A_230 = tpu.vector_load %arg18[%parallel_loop3A_229] {strides = array<i32>} : memref<12288xi32, #tpu.memory_space<vmem>>, vector<16xi32>,
      %parallel_loop3A_231 = arith.constant 16 : i32
      %parallel_loop3A_232 = arith.muli %parallel_loop3A_220, %parallel_loop3A_231 : i32
      %parallel_loop3A_233 = arith.constant 8192 : i32
      %parallel_loop3A_234 = arith.addi %parallel_loop3A_233, %parallel_loop3A_232 : i32
      %parallel_loop3A_235 = arith.index_cast %parallel_loop3A_234 : i32 to index
      %parallel_loop3A_236 = tpu.vector_load %arg18[%parallel_loop3A_235] {strides = array<i32>} : memref<12288xi32, #tpu.memory_space<vmem>>, vector<16xi32>,
      %parallel_loop3A_237 = vector.bitcast %parallel_loop3A_236 : vector<16xi32> to vector<16xf32>
      %parallel_loop3A_238 = tpu.vector_load_idx %arg5[%parallel_loop3A_224] : memref<16384xf32, #tpu.memory_space<vmem>>[vector<16xi32>], vector<16xf32>,
      %parallel_loop3A_239 = arith.mulf %parallel_loop3A_238, %parallel_loop3A_237 : vector<16xf32>
      tpu.vector_store_idx %arg9[%parallel_loop3A_230], %parallel_loop3A_239 {add = true} : memref<4096xf32, #tpu.memory_space<vmem>>[vector<16xi32>], vector<16xf32>,
      %parallel_loop3A_240 = tpu.vector_load_idx %arg6[%parallel_loop3A_224] : memref<16384xf32, #tpu.memory_space<vmem>>[vector<16xi32>], vector<16xf32>,
      %parallel_loop3A_241 = arith.mulf %parallel_loop3A_240, %parallel_loop3A_237 : vector<16xf32>
      tpu.vector_store_idx %arg10[%parallel_loop3A_230], %parallel_loop3A_241 {add = true} : memref<4096xf32, #tpu.memory_space<vmem>>[vector<16xi32>], vector<16xf32>,
      %parallel_loop3A_242 = tpu.vector_load_idx %arg7[%parallel_loop3A_224] : memref<16384xf32, #tpu.memory_space<vmem>>[vector<16xi32>], vector<16xf32>,
      %parallel_loop3A_243 = arith.mulf %parallel_loop3A_242, %parallel_loop3A_237 : vector<16xf32>
      tpu.vector_store_idx %arg11[%parallel_loop3A_230], %parallel_loop3A_243 {add = true} : memref<4096xf32, #tpu.memory_space<vmem>>[vector<16xi32>], vector<16xf32>,
      %parallel_loop3A_244 = tpu.vector_load_idx %arg8[%parallel_loop3A_224] : memref<16384xf32, #tpu.memory_space<vmem>>[vector<16xi32>], vector<16xf32>,
      %parallel_loop3A_245 = arith.mulf %parallel_loop3A_244, %parallel_loop3A_237 : vector<16xf32>
      tpu.vector_store_idx %arg12[%parallel_loop3A_230], %parallel_loop3A_245 {add = true} : memref<4096xf32, #tpu.memory_space<vmem>>[vector<16xi32>], vector<16xf32>,
    } {sc.loop_unroll_factor = 4 : i64, sc.parallel_access}
    %add3A_68 = arith.constant 0 : i32
    %add3A_69 = arith.addi %add3A_4, %add3A_68 : i32
    %mul3A_70 = arith.constant 4096 : i32
    %mul3A_71 = arith.muli %add3A_69, %mul3A_70 : i32
    %dma_start3A_72 = tpu.memref_slice %arg4[%mul3A_71] : memref<1048576xf32, #tpu.memory_space<hbm>> -> memref<4096xf32, #tpu.memory_space<hbm>>
    %dma_start3A_73 = tpu.memref_slice %arg4[%mul3A_71] : memref<1048576xf32, #tpu.memory_space<hbm>> -> memref<4096xf32, #tpu.memory_space<hbm>>
    tpu.enqueue_dma source(%arg9 : memref<4096xf32, #tpu.memory_space<vmem>>) target(%dma_start3A_73 : memref<4096xf32, #tpu.memory_space<hbm>>) target_semaphore(%arg21 : memref<!tpu.dma_semaphore, #tpu.memory_space<semaphore_mem>>)
    %add3A_74 = arith.constant 1 : i32
    %add3A_75 = arith.addi %add3A_4, %add3A_74 : i32
    %mul3A_76 = arith.constant 4096 : i32
    %mul3A_77 = arith.muli %add3A_75, %mul3A_76 : i32
    %dma_start3A_78 = tpu.memref_slice %arg4[%mul3A_77] : memref<1048576xf32, #tpu.memory_space<hbm>> -> memref<4096xf32, #tpu.memory_space<hbm>>
    %dma_start3A_79 = tpu.memref_slice %arg4[%mul3A_77] : memref<1048576xf32, #tpu.memory_space<hbm>> -> memref<4096xf32, #tpu.memory_space<hbm>>
    tpu.enqueue_dma source(%arg10 : memref<4096xf32, #tpu.memory_space<vmem>>) target(%dma_start3A_79 : memref<4096xf32, #tpu.memory_space<hbm>>) target_semaphore(%arg21 : memref<!tpu.dma_semaphore, #tpu.memory_space<semaphore_mem>>)
    %add3A_80 = arith.constant 2 : i32
    %add3A_81 = arith.addi %add3A_4, %add3A_80 : i32
    %mul3A_82 = arith.constant 4096 : i32
    %mul3A_83 = arith.muli %add3A_81, %mul3A_82 : i32
    %dma_start3A_84 = tpu.memref_slice %arg4[%mul3A_83] : memref<1048576xf32, #tpu.memory_space<hbm>> -> memref<4096xf32, #tpu.memory_space<hbm>>
    %dma_start3A_85 = tpu.memref_slice %arg4[%mul3A_83] : memref<1048576xf32, #tpu.memory_space<hbm>> -> memref<4096xf32, #tpu.memory_space<hbm>>
    tpu.enqueue_dma source(%arg11 : memref<4096xf32, #tpu.memory_space<vmem>>) target(%dma_start3A_85 : memref<4096xf32, #tpu.memory_space<hbm>>) target_semaphore(%arg21 : memref<!tpu.dma_semaphore, #tpu.memory_space<semaphore_mem>>)
    %add3A_86 = arith.constant 3 : i32
    %add3A_87 = arith.addi %add3A_4, %add3A_86 : i32
    %mul3A_88 = arith.constant 4096 : i32
    %mul3A_89 = arith.muli %add3A_87, %mul3A_88 : i32
    %dma_start3A_90 = tpu.memref_slice %arg4[%mul3A_89] : memref<1048576xf32, #tpu.memory_space<hbm>> -> memref<4096xf32, #tpu.memory_space<hbm>>
    %dma_start3A_91 = tpu.memref_slice %arg4[%mul3A_89] : memref<1048576xf32, #tpu.memory_space<hbm>> -> memref<4096xf32, #tpu.memory_space<hbm>>
    tpu.enqueue_dma source(%arg12 : memref<4096xf32, #tpu.memory_space<vmem>>) target(%dma_start3A_91 : memref<4096xf32, #tpu.memory_space<hbm>>) target_semaphore(%arg21 : memref<!tpu.dma_semaphore, #tpu.memory_space<semaphore_mem>>)
    %mul3A_92 = arith.constant 4 : i32
    %mul3A_93 = arith.muli %add3A, %mul3A_92 : i32
    %add3A_94 = arith.constant 128 : i32
    %add3A_95 = arith.addi %mul3A_93, %add3A_94 : i32
    %dma_start3A_96 = arith.constant 0 : i32
    %dma_start3A_97 = tpu.memref_slice %arg3[%dma_start3A_96] : memref<393216xi32, #tpu.memory_space<hbm>> -> memref<12288xi32, #tpu.memory_space<hbm>>
    %dma_start3A_98 = arith.constant 0 : i32
    %dma_start3A_99 = tpu.memref_slice %arg3[%dma_start3A_98] : memref<393216xi32, #tpu.memory_space<hbm>> -> memref<12288xi32, #tpu.memory_space<hbm>>
    tpu.enqueue_dma source(%dma_start3A_99 : memref<12288xi32, #tpu.memory_space<hbm>>) target(%arg17 : memref<12288xi32, #tpu.memory_space<vmem>>) target_semaphore(%arg19 : memref<!tpu.dma_semaphore, #tpu.memory_space<semaphore_mem>>)
    %dma_start3A_100 = arith.constant 12288 : i32
    %dma_start3A_101 = tpu.memref_slice %arg3[%dma_start3A_100] : memref<393216xi32, #tpu.memory_space<hbm>> -> memref<12288xi32, #tpu.memory_space<hbm>>
    %dma_start3A_102 = arith.constant 12288 : i32
    %dma_start3A_103 = tpu.memref_slice %arg3[%dma_start3A_102] : memref<393216xi32, #tpu.memory_space<hbm>> -> memref<12288xi32, #tpu.memory_space<hbm>>
    tpu.enqueue_dma source(%dma_start3A_103 : memref<12288xi32, #tpu.memory_space<hbm>>) target(%arg18 : memref<12288xi32, #tpu.memory_space<vmem>>) target_semaphore(%arg19 : memref<!tpu.dma_semaphore, #tpu.memory_space<semaphore_mem>>)
    %add3A_104 = arith.constant 0 : i32
    %add3A_105 = arith.addi %add3A_95, %add3A_104 : i32
    %mul3A_106 = arith.constant 16384 : i32
    %mul3A_107 = arith.muli %add3A_105, %mul3A_106 : i32
    %dma_start3A_108 = tpu.memref_slice %arg2[%mul3A_107] : memref<4194304xf32, #tpu.memory_space<hbm>> -> memref<16384xf32, #tpu.memory_space<hbm>>
    %dma_start3A_109 = tpu.memref_slice %arg2[%mul3A_107] : memref<4194304xf32, #tpu.memory_space<hbm>> -> memref<16384xf32, #tpu.memory_space<hbm>>
    tpu.enqueue_dma source(%dma_start3A_109 : memref<16384xf32, #tpu.memory_space<hbm>>) target(%arg5 : memref<16384xf32, #tpu.memory_space<vmem>>) target_semaphore(%arg20 : memref<!tpu.dma_semaphore, #tpu.memory_space<semaphore_mem>>)
    %add3A_110 = arith.constant 1 : i32
    %add3A_111 = arith.addi %add3A_95, %add3A_110 : i32
    %mul3A_112 = arith.constant 16384 : i32
    %mul3A_113 = arith.muli %add3A_111, %mul3A_112 : i32
    %dma_start3A_114 = tpu.memref_slice %arg2[%mul3A_113] : memref<4194304xf32, #tpu.memory_space<hbm>> -> memref<16384xf32, #tpu.memory_space<hbm>>
    %dma_start3A_115 = tpu.memref_slice %arg2[%mul3A_113] : memref<4194304xf32, #tpu.memory_space<hbm>> -> memref<16384xf32, #tpu.memory_space<hbm>>
    tpu.enqueue_dma source(%dma_start3A_115 : memref<16384xf32, #tpu.memory_space<hbm>>) target(%arg6 : memref<16384xf32, #tpu.memory_space<vmem>>) target_semaphore(%arg20 : memref<!tpu.dma_semaphore, #tpu.memory_space<semaphore_mem>>)
    %add3A_116 = arith.constant 2 : i32
    %add3A_117 = arith.addi %add3A_95, %add3A_116 : i32
    %mul3A_118 = arith.constant 16384 : i32
    %mul3A_119 = arith.muli %add3A_117, %mul3A_118 : i32
    %dma_start3A_120 = tpu.memref_slice %arg2[%mul3A_119] : memref<4194304xf32, #tpu.memory_space<hbm>> -> memref<16384xf32, #tpu.memory_space<hbm>>
    %dma_start3A_121 = tpu.memref_slice %arg2[%mul3A_119] : memref<4194304xf32, #tpu.memory_space<hbm>> -> memref<16384xf32, #tpu.memory_space<hbm>>
    tpu.enqueue_dma source(%dma_start3A_121 : memref<16384xf32, #tpu.memory_space<hbm>>) target(%arg7 : memref<16384xf32, #tpu.memory_space<vmem>>) target_semaphore(%arg20 : memref<!tpu.dma_semaphore, #tpu.memory_space<semaphore_mem>>)
    %add3A_122 = arith.constant 3 : i32
    %add3A_123 = arith.addi %add3A_95, %add3A_122 : i32
    %mul3A_124 = arith.constant 16384 : i32
    %mul3A_125 = arith.muli %add3A_123, %mul3A_124 : i32
    %dma_start3A_126 = tpu.memref_slice %arg2[%mul3A_125] : memref<4194304xf32, #tpu.memory_space<hbm>> -> memref<16384xf32, #tpu.memory_space<hbm>>
    %dma_start3A_127 = tpu.memref_slice %arg2[%mul3A_125] : memref<4194304xf32, #tpu.memory_space<hbm>> -> memref<16384xf32, #tpu.memory_space<hbm>>
    tpu.enqueue_dma source(%dma_start3A_127 : memref<16384xf32, #tpu.memory_space<hbm>>) target(%arg8 : memref<16384xf32, #tpu.memory_space<vmem>>) target_semaphore(%arg20 : memref<!tpu.dma_semaphore, #tpu.memory_space<semaphore_mem>>)
    %broadcast_in_dim3A_128 = arith.constant 0.000000e+00 : f32
    %broadcast_in_dim3A_129 = vector.broadcast %broadcast_in_dim3A_128 : f32 to vector<16xf32>
    %scan3A_130 = arith.constant 0 : i32
    %scan3A_131 = arith.constant 0 : i32
    %scan3A_132 = arith.constant 128 : i32
    %scan3A_133 = arith.addi %scan3A_131, %scan3A_132 : i32
    %scan3A_134 = arith.constant 1 : i32
    scf.for %scan3A_220 = %scan3A_131 to %scan3A_133 step %scan3A_134  : i32 {
      %mul3A_221 = arith.constant 2 : i32
      %mul3A_222 = arith.muli %scan3A_220, %mul3A_221 : i32
      %add3A_223 = arith.constant 0 : i32
      %add3A_224 = arith.addi %mul3A_222, %add3A_223 : i32
      %mul3A_225 = arith.constant 16 : i32
      %mul3A_226 = arith.muli %add3A_224, %mul3A_225 : i32
      %swap3A = arith.index_cast %mul3A_226 : i32 to index
      %swap3A_227 = tpu.vector_load %arg13[%swap3A] {strides = array<i32>} : memref<4096xf32, #tpu.memory_space<vmem>>, vector<16xf32>,
      tpu.vector_store %arg13[%swap3A], %broadcast_in_dim3A_129 {strides = array<i32>} : memref<4096xf32, #tpu.memory_space<vmem>>, vector<16xf32>,
      %mul3A_228 = arith.constant 2 : i32
      %mul3A_229 = arith.muli %scan3A_220, %mul3A_228 : i32
      %add3A_230 = arith.constant 1 : i32
      %add3A_231 = arith.addi %mul3A_229, %add3A_230 : i32
      %mul3A_232 = arith.constant 16 : i32
      %mul3A_233 = arith.muli %add3A_231, %mul3A_232 : i32
      %swap3A_234 = arith.index_cast %mul3A_233 : i32 to index
      %swap3A_235 = tpu.vector_load %arg13[%swap3A_234] {strides = array<i32>} : memref<4096xf32, #tpu.memory_space<vmem>>, vector<16xf32>,
      tpu.vector_store %arg13[%swap3A_234], %broadcast_in_dim3A_129 {strides = array<i32>} : memref<4096xf32, #tpu.memory_space<vmem>>, vector<16xf32>,
      %mul3A_236 = arith.constant 2 : i32
      %mul3A_237 = arith.muli %scan3A_220, %mul3A_236 : i32
      %add3A_238 = arith.constant 0 : i32
      %add3A_239 = arith.addi %mul3A_237, %add3A_238 : i32
      %mul3A_240 = arith.constant 16 : i32
      %mul3A_241 = arith.muli %add3A_239, %mul3A_240 : i32
      %swap3A_242 = arith.index_cast %mul3A_241 : i32 to index
      %swap3A_243 = tpu.vector_load %arg14[%swap3A_242] {strides = array<i32>} : memref<4096xf32, #tpu.memory_space<vmem>>, vector<16xf32>,
      tpu.vector_store %arg14[%swap3A_242], %broadcast_in_dim3A_129 {strides = array<i32>} : memref<4096xf32, #tpu.memory_space<vmem>>, vector<16xf32>,
      %mul3A_244 = arith.constant 2 : i32
      %mul3A_245 = arith.muli %scan3A_220, %mul3A_244 : i32
      %add3A_246 = arith.constant 1 : i32
      %add3A_247 = arith.addi %mul3A_245, %add3A_246 : i32
      %mul3A_248 = arith.constant 16 : i32
      %mul3A_249 = arith.muli %add3A_247, %mul3A_248 : i32
      %swap3A_250 = arith.index_cast %mul3A_249 : i32 to index
      %swap3A_251 = tpu.vector_load %arg14[%swap3A_250] {strides = array<i32>} : memref<4096xf32, #tpu.memory_space<vmem>>, vector<16xf32>,
      tpu.vector_store %arg14[%swap3A_250], %broadcast_in_dim3A_129 {strides = array<i32>} : memref<4096xf32, #tpu.memory_space<vmem>>, vector<16xf32>,
      %mul3A_252 = arith.constant 2 : i32
      %mul3A_253 = arith.muli %scan3A_220, %mul3A_252 : i32
      %add3A_254 = arith.constant 0 : i32
      %add3A_255 = arith.addi %mul3A_253, %add3A_254 : i32
      %mul3A_256 = arith.constant 16 : i32
      %mul3A_257 = arith.muli %add3A_255, %mul3A_256 : i32
      %swap3A_258 = arith.index_cast %mul3A_257 : i32 to index
      %swap3A_259 = tpu.vector_load %arg15[%swap3A_258] {strides = array<i32>} : memref<4096xf32, #tpu.memory_space<vmem>>, vector<16xf32>,
      tpu.vector_store %arg15[%swap3A_258], %broadcast_in_dim3A_129 {strides = array<i32>} : memref<4096xf32, #tpu.memory_space<vmem>>, vector<16xf32>,
      %mul3A_260 = arith.constant 2 : i32
      %mul3A_261 = arith.muli %scan3A_220, %mul3A_260 : i32
      %add3A_262 = arith.constant 1 : i32
      %add3A_263 = arith.addi %mul3A_261, %add3A_262 : i32
      %mul3A_264 = arith.constant 16 : i32
      %mul3A_265 = arith.muli %add3A_263, %mul3A_264 : i32
      %swap3A_266 = arith.index_cast %mul3A_265 : i32 to index
      %swap3A_267 = tpu.vector_load %arg15[%swap3A_266] {strides = array<i32>} : memref<4096xf32, #tpu.memory_space<vmem>>, vector<16xf32>,
      tpu.vector_store %arg15[%swap3A_266], %broadcast_in_dim3A_129 {strides = array<i32>} : memref<4096xf32, #tpu.memory_space<vmem>>, vector<16xf32>,
      %mul3A_268 = arith.constant 2 : i32
      %mul3A_269 = arith.muli %scan3A_220, %mul3A_268 : i32
      %add3A_270 = arith.constant 0 : i32
      %add3A_271 = arith.addi %mul3A_269, %add3A_270 : i32
      %mul3A_272 = arith.constant 16 : i32
      %mul3A_273 = arith.muli %add3A_271, %mul3A_272 : i32
      %swap3A_274 = arith.index_cast %mul3A_273 : i32 to index
      %swap3A_275 = tpu.vector_load %arg16[%swap3A_274] {strides = array<i32>} : memref<4096xf32, #tpu.memory_space<vmem>>, vector<16xf32>,
      tpu.vector_store %arg16[%swap3A_274], %broadcast_in_dim3A_129 {strides = array<i32>} : memref<4096xf32, #tpu.memory_space<vmem>>, vector<16xf32>,
      %mul3A_276 = arith.constant 2 : i32
      %mul3A_277 = arith.muli %scan3A_220, %mul3A_276 : i32
      %add3A_278 = arith.constant 1 : i32
      %add3A_279 = arith.addi %mul3A_277, %add3A_278 : i32
      %mul3A_280 = arith.constant 16 : i32
      %mul3A_281 = arith.muli %add3A_279, %mul3A_280 : i32
      %swap3A_282 = arith.index_cast %mul3A_281 : i32 to index
      %swap3A_283 = tpu.vector_load %arg16[%swap3A_282] {strides = array<i32>} : memref<4096xf32, #tpu.memory_space<vmem>>, vector<16xf32>,
      tpu.vector_store %arg16[%swap3A_282], %broadcast_in_dim3A_129 {strides = array<i32>} : memref<4096xf32, #tpu.memory_space<vmem>>, vector<16xf32>,
    }
    %scan3A_135 = arith.constant 128 : i32
    %dma_wait3A_136 = tpu.memref_slice %arg2[%mul3A_107] : memref<4194304xf32, #tpu.memory_space<hbm>> -> memref<16384xf32, #tpu.memory_space<hbm>>
    %dma_wait3A_137 = tpu.memref_slice %arg2[%mul3A_107] : memref<4194304xf32, #tpu.memory_space<hbm>> -> memref<16384xf32, #tpu.memory_space<hbm>>
    tpu.wait_dma2 semaphore(%arg20 : memref<!tpu.dma_semaphore, #tpu.memory_space<semaphore_mem>>) src(%dma_wait3A_137 : memref<16384xf32, #tpu.memory_space<hbm>>) dst(%arg5 : memref<16384xf32, #tpu.memory_space<vmem>>)
    %dma_wait3A_138 = tpu.memref_slice %arg2[%mul3A_113] : memref<4194304xf32, #tpu.memory_space<hbm>> -> memref<16384xf32, #tpu.memory_space<hbm>>
    %dma_wait3A_139 = tpu.memref_slice %arg2[%mul3A_113] : memref<4194304xf32, #tpu.memory_space<hbm>> -> memref<16384xf32, #tpu.memory_space<hbm>>
    tpu.wait_dma2 semaphore(%arg20 : memref<!tpu.dma_semaphore, #tpu.memory_space<semaphore_mem>>) src(%dma_wait3A_139 : memref<16384xf32, #tpu.memory_space<hbm>>) dst(%arg6 : memref<16384xf32, #tpu.memory_space<vmem>>)
    %dma_wait3A_140 = tpu.memref_slice %arg2[%mul3A_119] : memref<4194304xf32, #tpu.memory_space<hbm>> -> memref<16384xf32, #tpu.memory_space<hbm>>
    %dma_wait3A_141 = tpu.memref_slice %arg2[%mul3A_119] : memref<4194304xf32, #tpu.memory_space<hbm>> -> memref<16384xf32, #tpu.memory_space<hbm>>
    tpu.wait_dma2 semaphore(%arg20 : memref<!tpu.dma_semaphore, #tpu.memory_space<semaphore_mem>>) src(%dma_wait3A_141 : memref<16384xf32, #tpu.memory_space<hbm>>) dst(%arg7 : memref<16384xf32, #tpu.memory_space<vmem>>)
    %dma_wait3A_142 = tpu.memref_slice %arg2[%mul3A_125] : memref<4194304xf32, #tpu.memory_space<hbm>> -> memref<16384xf32, #tpu.memory_space<hbm>>
    %dma_wait3A_143 = tpu.memref_slice %arg2[%mul3A_125] : memref<4194304xf32, #tpu.memory_space<hbm>> -> memref<16384xf32, #tpu.memory_space<hbm>>
    tpu.wait_dma2 semaphore(%arg20 : memref<!tpu.dma_semaphore, #tpu.memory_space<semaphore_mem>>) src(%dma_wait3A_143 : memref<16384xf32, #tpu.memory_space<hbm>>) dst(%arg8 : memref<16384xf32, #tpu.memory_space<vmem>>)
    %scan3A_144 = arith.constant 0 : i32
    %scan3A_145 = arith.constant 0 : i32
    %scan3A_146 = arith.constant 15 : i32
    %scan3A_147 = arith.addi %scan3A_145, %scan3A_146 : i32
    %scan3A_148 = arith.constant 1 : i32
    scf.for %scan3A_220 = %scan3A_145 to %scan3A_147 step %scan3A_148  : i32 {
      %dma_wait3A_221 = arith.constant 0 : i32
      %dma_wait3A_222 = tpu.memref_slice %arg3[%dma_wait3A_221] : memref<393216xi32, #tpu.memory_space<hbm>> -> memref<12288xi32, #tpu.memory_space<hbm>>
      %dma_wait3A_223 = arith.constant 0 : i32
      %dma_wait3A_224 = tpu.memref_slice %arg3[%dma_wait3A_223] : memref<393216xi32, #tpu.memory_space<hbm>> -> memref<12288xi32, #tpu.memory_space<hbm>>
      tpu.wait_dma2 semaphore(%arg19 : memref<!tpu.dma_semaphore, #tpu.memory_space<semaphore_mem>>) src(%dma_wait3A_224 : memref<12288xi32, #tpu.memory_space<hbm>>) dst(%arg17 : memref<12288xi32, #tpu.memory_space<vmem>>)
      %parallel_loop3A_225 = arith.constant 0 : i32
      %parallel_loop3A_226 = arith.constant 256 : i32
      %parallel_loop3A_227 = arith.constant 1 : i32
      scf.for %parallel_loop3A_255 = %parallel_loop3A_225 to %parallel_loop3A_226 step %parallel_loop3A_227  : i32 {
        %parallel_loop3A_256 = arith.constant 16 : i32
        %parallel_loop3A_257 = arith.muli %parallel_loop3A_255, %parallel_loop3A_256 : i32
        %parallel_loop3A_258 = arith.index_cast %parallel_loop3A_257 : i32 to index
        %parallel_loop3A_259 = tpu.vector_load %arg17[%parallel_loop3A_258] {strides = array<i32>} : memref<12288xi32, #tpu.memory_space<vmem>>, vector<16xi32>,
        %parallel_loop3A_260 = arith.constant 16 : i32
        %parallel_loop3A_261 = arith.muli %parallel_loop3A_255, %parallel_loop3A_260 : i32
        %parallel_loop3A_262 = arith.constant 4096 : i32
        %parallel_loop3A_263 = arith.addi %parallel_loop3A_262, %parallel_loop3A_261 : i32
        %parallel_loop3A_264 = arith.index_cast %parallel_loop3A_263 : i32 to index
        %parallel_loop3A_265 = tpu.vector_load %arg17[%parallel_loop3A_264] {strides = array<i32>} : memref<12288xi32, #tpu.memory_space<vmem>>, vector<16xi32>,
        %parallel_loop3A_266 = arith.constant 16 : i32
        %parallel_loop3A_267 = arith.muli %parallel_loop3A_255, %parallel_loop3A_266 : i32
        %parallel_loop3A_268 = arith.constant 8192 : i32
        %parallel_loop3A_269 = arith.addi %parallel_loop3A_268, %parallel_loop3A_267 : i32
        %parallel_loop3A_270 = arith.index_cast %parallel_loop3A_269 : i32 to index
        %parallel_loop3A_271 = tpu.vector_load %arg17[%parallel_loop3A_270] {strides = array<i32>} : memref<12288xi32, #tpu.memory_space<vmem>>, vector<16xi32>,
        %parallel_loop3A_272 = vector.bitcast %parallel_loop3A_271 : vector<16xi32> to vector<16xf32>
        %parallel_loop3A_273 = tpu.vector_load_idx %arg5[%parallel_loop3A_259] : memref<16384xf32, #tpu.memory_space<vmem>>[vector<16xi32>], vector<16xf32>,
        %parallel_loop3A_274 = arith.mulf %parallel_loop3A_273, %parallel_loop3A_272 : vector<16xf32>
        tpu.vector_store_idx %arg13[%parallel_loop3A_265], %parallel_loop3A_274 {add = true} : memref<4096xf32, #tpu.memory_space<vmem>>[vector<16xi32>], vector<16xf32>,
        %parallel_loop3A_275 = tpu.vector_load_idx %arg6[%parallel_loop3A_259] : memref<16384xf32, #tpu.memory_space<vmem>>[vector<16xi32>], vector<16xf32>,
        %parallel_loop3A_276 = arith.mulf %parallel_loop3A_275, %parallel_loop3A_272 : vector<16xf32>
        tpu.vector_store_idx %arg14[%parallel_loop3A_265], %parallel_loop3A_276 {add = true} : memref<4096xf32, #tpu.memory_space<vmem>>[vector<16xi32>], vector<16xf32>,
        %parallel_loop3A_277 = tpu.vector_load_idx %arg7[%parallel_loop3A_259] : memref<16384xf32, #tpu.memory_space<vmem>>[vector<16xi32>], vector<16xf32>,
        %parallel_loop3A_278 = arith.mulf %parallel_loop3A_277, %parallel_loop3A_272 : vector<16xf32>
        tpu.vector_store_idx %arg15[%parallel_loop3A_265], %parallel_loop3A_278 {add = true} : memref<4096xf32, #tpu.memory_space<vmem>>[vector<16xi32>], vector<16xf32>,
        %parallel_loop3A_279 = tpu.vector_load_idx %arg8[%parallel_loop3A_259] : memref<16384xf32, #tpu.memory_space<vmem>>[vector<16xi32>], vector<16xf32>,
        %parallel_loop3A_280 = arith.mulf %parallel_loop3A_279, %parallel_loop3A_272 : vector<16xf32>
        tpu.vector_store_idx %arg16[%parallel_loop3A_265], %parallel_loop3A_280 {add = true} : memref<4096xf32, #tpu.memory_space<vmem>>[vector<16xi32>], vector<16xf32>,
      } {sc.loop_unroll_factor = 4 : i64, sc.parallel_access}
      %mul3A_228 = arith.constant 2 : i32
      %mul3A_229 = arith.muli %mul3A_228, %scan3A_220 : i32
      %add3A_230 = arith.constant 2 : i32
      %add3A_231 = arith.addi %mul3A_229, %add3A_230 : i32
      %mul3A_232 = arith.constant 3 : i32
      %mul3A_233 = arith.muli %add3A_231, %mul3A_232 : i32
      %mul3A_234 = arith.constant 4096 : i32
      %mul3A_235 = arith.muli %mul3A_233, %mul3A_234 : i32
      %dma_start3A_236 = tpu.memref_slice %arg3[%mul3A_235] : memref<393216xi32, #tpu.memory_space<hbm>> -> memref<12288xi32, #tpu.memory_space<hbm>>
      %dma_start3A_237 = tpu.memref_slice %arg3[%mul3A_235] : memref<393216xi32, #tpu.memory_space<hbm>> -> memref<12288xi32, #tpu.memory_space<hbm>>
      tpu.enqueue_dma source(%dma_start3A_237 : memref<12288xi32, #tpu.memory_space<hbm>>) target(%arg17 : memref<12288xi32, #tpu.memory_space<vmem>>) target_semaphore(%arg19 : memref<!tpu.dma_semaphore, #tpu.memory_space<semaphore_mem>>)
      %dma_wait3A_238 = arith.constant 0 : i32
      %dma_wait3A_239 = tpu.memref_slice %arg3[%dma_wait3A_238] : memref<393216xi32, #tpu.memory_space<hbm>> -> memref<12288xi32, #tpu.memory_space<hbm>>
      %dma_wait3A_240 = arith.constant 0 : i32
      %dma_wait3A_241 = tpu.memref_slice %arg3[%dma_wait3A_240] : memref<393216xi32, #tpu.memory_space<hbm>> -> memref<12288xi32, #tpu.memory_space<hbm>>
      tpu.wait_dma2 semaphore(%arg19 : memref<!tpu.dma_semaphore, #tpu.memory_space<semaphore_mem>>) src(%dma_wait3A_241 : memref<12288xi32, #tpu.memory_space<hbm>>) dst(%arg18 : memref<12288xi32, #tpu.memory_space<vmem>>)
      %parallel_loop3A_242 = arith.constant 0 : i32
      %parallel_loop3A_243 = arith.constant 256 : i32
      %parallel_loop3A_244 = arith.constant 1 : i32
      scf.for %parallel_loop3A_255 = %parallel_loop3A_242 to %parallel_loop3A_243 step %parallel_loop3A_244  : i32 {
        %parallel_loop3A_256 = arith.constant 16 : i32
        %parallel_loop3A_257 = arith.muli %parallel_loop3A_255, %parallel_loop3A_256 : i32
        %parallel_loop3A_258 = arith.index_cast %parallel_loop3A_257 : i32 to index
        %parallel_loop3A_259 = tpu.vector_load %arg18[%parallel_loop3A_258] {strides = array<i32>} : memref<12288xi32, #tpu.memory_space<vmem>>, vector<16xi32>,
        %parallel_loop3A_260 = arith.constant 16 : i32
        %parallel_loop3A_261 = arith.muli %parallel_loop3A_255, %parallel_loop3A_260 : i32
        %parallel_loop3A_262 = arith.constant 4096 : i32
        %parallel_loop3A_263 = arith.addi %parallel_loop3A_262, %parallel_loop3A_261 : i32
        %parallel_loop3A_264 = arith.index_cast %parallel_loop3A_263 : i32 to index
        %parallel_loop3A_265 = tpu.vector_load %arg18[%parallel_loop3A_264] {strides = array<i32>} : memref<12288xi32, #tpu.memory_space<vmem>>, vector<16xi32>,
        %parallel_loop3A_266 = arith.constant 16 : i32
        %parallel_loop3A_267 = arith.muli %parallel_loop3A_255, %parallel_loop3A_266 : i32
        %parallel_loop3A_268 = arith.constant 8192 : i32
        %parallel_loop3A_269 = arith.addi %parallel_loop3A_268, %parallel_loop3A_267 : i32
        %parallel_loop3A_270 = arith.index_cast %parallel_loop3A_269 : i32 to index
        %parallel_loop3A_271 = tpu.vector_load %arg18[%parallel_loop3A_270] {strides = array<i32>} : memref<12288xi32, #tpu.memory_space<vmem>>, vector<16xi32>,
        %parallel_loop3A_272 = vector.bitcast %parallel_loop3A_271 : vector<16xi32> to vector<16xf32>
        %parallel_loop3A_273 = tpu.vector_load_idx %arg5[%parallel_loop3A_259] : memref<16384xf32, #tpu.memory_space<vmem>>[vector<16xi32>], vector<16xf32>,
        %parallel_loop3A_274 = arith.mulf %parallel_loop3A_273, %parallel_loop3A_272 : vector<16xf32>
        tpu.vector_store_idx %arg13[%parallel_loop3A_265], %parallel_loop3A_274 {add = true} : memref<4096xf32, #tpu.memory_space<vmem>>[vector<16xi32>], vector<16xf32>,
        %parallel_loop3A_275 = tpu.vector_load_idx %arg6[%parallel_loop3A_259] : memref<16384xf32, #tpu.memory_space<vmem>>[vector<16xi32>], vector<16xf32>,
        %parallel_loop3A_276 = arith.mulf %parallel_loop3A_275, %parallel_loop3A_272 : vector<16xf32>
        tpu.vector_store_idx %arg14[%parallel_loop3A_265], %parallel_loop3A_276 {add = true} : memref<4096xf32, #tpu.memory_space<vmem>>[vector<16xi32>], vector<16xf32>,
        %parallel_loop3A_277 = tpu.vector_load_idx %arg7[%parallel_loop3A_259] : memref<16384xf32, #tpu.memory_space<vmem>>[vector<16xi32>], vector<16xf32>,
        %parallel_loop3A_278 = arith.mulf %parallel_loop3A_277, %parallel_loop3A_272 : vector<16xf32>
        tpu.vector_store_idx %arg15[%parallel_loop3A_265], %parallel_loop3A_278 {add = true} : memref<4096xf32, #tpu.memory_space<vmem>>[vector<16xi32>], vector<16xf32>,
        %parallel_loop3A_279 = tpu.vector_load_idx %arg8[%parallel_loop3A_259] : memref<16384xf32, #tpu.memory_space<vmem>>[vector<16xi32>], vector<16xf32>,
        %parallel_loop3A_280 = arith.mulf %parallel_loop3A_279, %parallel_loop3A_272 : vector<16xf32>
        tpu.vector_store_idx %arg16[%parallel_loop3A_265], %parallel_loop3A_280 {add = true} : memref<4096xf32, #tpu.memory_space<vmem>>[vector<16xi32>], vector<16xf32>,
      } {sc.loop_unroll_factor = 4 : i64, sc.parallel_access}
      %mul3A_245 = arith.constant 2 : i32
      %mul3A_246 = arith.muli %mul3A_245, %scan3A_220 : i32
      %add3A_247 = arith.constant 3 : i32
      %add3A_248 = arith.addi %mul3A_246, %add3A_247 : i32
      %mul3A_249 = arith.constant 3 : i32
      %mul3A_250 = arith.muli %add3A_248, %mul3A_249 : i32
      %mul3A_251 = arith.constant 4096 : i32
      %mul3A_252 = arith.muli %mul3A_250, %mul3A_251 : i32
      %dma_start3A_253 = tpu.memref_slice %arg3[%mul3A_252] : memref<393216xi32, #tpu.memory_space<hbm>> -> memref<12288xi32, #tpu.memory_space<hbm>>
      %dma_start3A_254 = tpu.memref_slice %arg3[%mul3A_252] : memref<393216xi32, #tpu.memory_space<hbm>> -> memref<12288xi32, #tpu.memory_space<hbm>>
      tpu.enqueue_dma source(%dma_start3A_254 : memref<12288xi32, #tpu.memory_space<hbm>>) target(%arg18 : memref<12288xi32, #tpu.memory_space<vmem>>) target_semaphore(%arg19 : memref<!tpu.dma_semaphore, #tpu.memory_space<semaphore_mem>>)
    }
    %scan3A_149 = arith.constant 15 : i32
    %dma_wait3A_150 = arith.constant 0 : i32
    %dma_wait3A_151 = tpu.memref_slice %arg3[%dma_wait3A_150] : memref<393216xi32, #tpu.memory_space<hbm>> -> memref<12288xi32, #tpu.memory_space<hbm>>
    %dma_wait3A_152 = arith.constant 0 : i32
    %dma_wait3A_153 = tpu.memref_slice %arg3[%dma_wait3A_152] : memref<393216xi32, #tpu.memory_space<hbm>> -> memref<12288xi32, #tpu.memory_space<hbm>>
    tpu.wait_dma2 semaphore(%arg19 : memref<!tpu.dma_semaphore, #tpu.memory_space<semaphore_mem>>) src(%dma_wait3A_153 : memref<12288xi32, #tpu.memory_space<hbm>>) dst(%arg17 : memref<12288xi32, #tpu.memory_space<vmem>>)
    %parallel_loop3A_154 = arith.constant 0 : i32
    %parallel_loop3A_155 = arith.constant 256 : i32
    %parallel_loop3A_156 = arith.constant 1 : i32
    scf.for %parallel_loop3A_220 = %parallel_loop3A_154 to %parallel_loop3A_155 step %parallel_loop3A_156  : i32 {
      %parallel_loop3A_221 = arith.constant 16 : i32
      %parallel_loop3A_222 = arith.muli %parallel_loop3A_220, %parallel_loop3A_221 : i32
      %parallel_loop3A_223 = arith.index_cast %parallel_loop3A_222 : i32 to index
      %parallel_loop3A_224 = tpu.vector_load %arg17[%parallel_loop3A_223] {strides = array<i32>} : memref<12288xi32, #tpu.memory_space<vmem>>, vector<16xi32>,
      %parallel_loop3A_225 = arith.constant 16 : i32
      %parallel_loop3A_226 = arith.muli %parallel_loop3A_220, %parallel_loop3A_225 : i32
      %parallel_loop3A_227 = arith.constant 4096 : i32
      %parallel_loop3A_228 = arith.addi %parallel_loop3A_227, %parallel_loop3A_226 : i32
      %parallel_loop3A_229 = arith.index_cast %parallel_loop3A_228 : i32 to index
      %parallel_loop3A_230 = tpu.vector_load %arg17[%parallel_loop3A_229] {strides = array<i32>} : memref<12288xi32, #tpu.memory_space<vmem>>, vector<16xi32>,
      %parallel_loop3A_231 = arith.constant 16 : i32
      %parallel_loop3A_232 = arith.muli %parallel_loop3A_220, %parallel_loop3A_231 : i32
      %parallel_loop3A_233 = arith.constant 8192 : i32
      %parallel_loop3A_234 = arith.addi %parallel_loop3A_233, %parallel_loop3A_232 : i32
      %parallel_loop3A_235 = arith.index_cast %parallel_loop3A_234 : i32 to index
      %parallel_loop3A_236 = tpu.vector_load %arg17[%parallel_loop3A_235] {strides = array<i32>} : memref<12288xi32, #tpu.memory_space<vmem>>, vector<16xi32>,
      %parallel_loop3A_237 = vector.bitcast %parallel_loop3A_236 : vector<16xi32> to vector<16xf32>
      %parallel_loop3A_238 = tpu.vector_load_idx %arg5[%parallel_loop3A_224] : memref<16384xf32, #tpu.memory_space<vmem>>[vector<16xi32>], vector<16xf32>,
      %parallel_loop3A_239 = arith.mulf %parallel_loop3A_238, %parallel_loop3A_237 : vector<16xf32>
      tpu.vector_store_idx %arg13[%parallel_loop3A_230], %parallel_loop3A_239 {add = true} : memref<4096xf32, #tpu.memory_space<vmem>>[vector<16xi32>], vector<16xf32>,
      %parallel_loop3A_240 = tpu.vector_load_idx %arg6[%parallel_loop3A_224] : memref<16384xf32, #tpu.memory_space<vmem>>[vector<16xi32>], vector<16xf32>,
      %parallel_loop3A_241 = arith.mulf %parallel_loop3A_240, %parallel_loop3A_237 : vector<16xf32>
      tpu.vector_store_idx %arg14[%parallel_loop3A_230], %parallel_loop3A_241 {add = true} : memref<4096xf32, #tpu.memory_space<vmem>>[vector<16xi32>], vector<16xf32>,
      %parallel_loop3A_242 = tpu.vector_load_idx %arg7[%parallel_loop3A_224] : memref<16384xf32, #tpu.memory_space<vmem>>[vector<16xi32>], vector<16xf32>,
      %parallel_loop3A_243 = arith.mulf %parallel_loop3A_242, %parallel_loop3A_237 : vector<16xf32>
      tpu.vector_store_idx %arg15[%parallel_loop3A_230], %parallel_loop3A_243 {add = true} : memref<4096xf32, #tpu.memory_space<vmem>>[vector<16xi32>], vector<16xf32>,
      %parallel_loop3A_244 = tpu.vector_load_idx %arg8[%parallel_loop3A_224] : memref<16384xf32, #tpu.memory_space<vmem>>[vector<16xi32>], vector<16xf32>,
      %parallel_loop3A_245 = arith.mulf %parallel_loop3A_244, %parallel_loop3A_237 : vector<16xf32>
      tpu.vector_store_idx %arg16[%parallel_loop3A_230], %parallel_loop3A_245 {add = true} : memref<4096xf32, #tpu.memory_space<vmem>>[vector<16xi32>], vector<16xf32>,
    } {sc.loop_unroll_factor = 4 : i64, sc.parallel_access}
    %dma_wait3A_157 = arith.constant 0 : i32
    %dma_wait3A_158 = tpu.memref_slice %arg3[%dma_wait3A_157] : memref<393216xi32, #tpu.memory_space<hbm>> -> memref<12288xi32, #tpu.memory_space<hbm>>
    %dma_wait3A_159 = arith.constant 0 : i32
    %dma_wait3A_160 = tpu.memref_slice %arg3[%dma_wait3A_159] : memref<393216xi32, #tpu.memory_space<hbm>> -> memref<12288xi32, #tpu.memory_space<hbm>>
    tpu.wait_dma2 semaphore(%arg19 : memref<!tpu.dma_semaphore, #tpu.memory_space<semaphore_mem>>) src(%dma_wait3A_160 : memref<12288xi32, #tpu.memory_space<hbm>>) dst(%arg18 : memref<12288xi32, #tpu.memory_space<vmem>>)
    %parallel_loop3A_161 = arith.constant 0 : i32
    %parallel_loop3A_162 = arith.constant 256 : i32
    %parallel_loop3A_163 = arith.constant 1 : i32
    scf.for %parallel_loop3A_220 = %parallel_loop3A_161 to %parallel_loop3A_162 step %parallel_loop3A_163  : i32 {
      %parallel_loop3A_221 = arith.constant 16 : i32
      %parallel_loop3A_222 = arith.muli %parallel_loop3A_220, %parallel_loop3A_221 : i32
      %parallel_loop3A_223 = arith.index_cast %parallel_loop3A_222 : i32 to index
      %parallel_loop3A_224 = tpu.vector_load %arg18[%parallel_loop3A_223] {strides = array<i32>} : memref<12288xi32, #tpu.memory_space<vmem>>, vector<16xi32>,
      %parallel_loop3A_225 = arith.constant 16 : i32
      %parallel_loop3A_226 = arith.muli %parallel_loop3A_220, %parallel_loop3A_225 : i32
      %parallel_loop3A_227 = arith.constant 4096 : i32
      %parallel_loop3A_228 = arith.addi %parallel_loop3A_227, %parallel_loop3A_226 : i32
      %parallel_loop3A_229 = arith.index_cast %parallel_loop3A_228 : i32 to index
      %parallel_loop3A_230 = tpu.vector_load %arg18[%parallel_loop3A_229] {strides = array<i32>} : memref<12288xi32, #tpu.memory_space<vmem>>, vector<16xi32>,
      %parallel_loop3A_231 = arith.constant 16 : i32
      %parallel_loop3A_232 = arith.muli %parallel_loop3A_220, %parallel_loop3A_231 : i32
      %parallel_loop3A_233 = arith.constant 8192 : i32
      %parallel_loop3A_234 = arith.addi %parallel_loop3A_233, %parallel_loop3A_232 : i32
      %parallel_loop3A_235 = arith.index_cast %parallel_loop3A_234 : i32 to index
      %parallel_loop3A_236 = tpu.vector_load %arg18[%parallel_loop3A_235] {strides = array<i32>} : memref<12288xi32, #tpu.memory_space<vmem>>, vector<16xi32>,
      %parallel_loop3A_237 = vector.bitcast %parallel_loop3A_236 : vector<16xi32> to vector<16xf32>
      %parallel_loop3A_238 = tpu.vector_load_idx %arg5[%parallel_loop3A_224] : memref<16384xf32, #tpu.memory_space<vmem>>[vector<16xi32>], vector<16xf32>,
      %parallel_loop3A_239 = arith.mulf %parallel_loop3A_238, %parallel_loop3A_237 : vector<16xf32>
      tpu.vector_store_idx %arg13[%parallel_loop3A_230], %parallel_loop3A_239 {add = true} : memref<4096xf32, #tpu.memory_space<vmem>>[vector<16xi32>], vector<16xf32>,
      %parallel_loop3A_240 = tpu.vector_load_idx %arg6[%parallel_loop3A_224] : memref<16384xf32, #tpu.memory_space<vmem>>[vector<16xi32>], vector<16xf32>,
      %parallel_loop3A_241 = arith.mulf %parallel_loop3A_240, %parallel_loop3A_237 : vector<16xf32>
      tpu.vector_store_idx %arg14[%parallel_loop3A_230], %parallel_loop3A_241 {add = true} : memref<4096xf32, #tpu.memory_space<vmem>>[vector<16xi32>], vector<16xf32>,
      %parallel_loop3A_242 = tpu.vector_load_idx %arg7[%parallel_loop3A_224] : memref<16384xf32, #tpu.memory_space<vmem>>[vector<16xi32>], vector<16xf32>,
      %parallel_loop3A_243 = arith.mulf %parallel_loop3A_242, %parallel_loop3A_237 : vector<16xf32>
      tpu.vector_store_idx %arg15[%parallel_loop3A_230], %parallel_loop3A_243 {add = true} : memref<4096xf32, #tpu.memory_space<vmem>>[vector<16xi32>], vector<16xf32>,
      %parallel_loop3A_244 = tpu.vector_load_idx %arg8[%parallel_loop3A_224] : memref<16384xf32, #tpu.memory_space<vmem>>[vector<16xi32>], vector<16xf32>,
      %parallel_loop3A_245 = arith.mulf %parallel_loop3A_244, %parallel_loop3A_237 : vector<16xf32>
      tpu.vector_store_idx %arg16[%parallel_loop3A_230], %parallel_loop3A_245 {add = true} : memref<4096xf32, #tpu.memory_space<vmem>>[vector<16xi32>], vector<16xf32>,
    } {sc.loop_unroll_factor = 4 : i64, sc.parallel_access}
    %add3A_164 = arith.constant 0 : i32
    %add3A_165 = arith.addi %add3A_95, %add3A_164 : i32
    %mul3A_166 = arith.constant 4096 : i32
    %mul3A_167 = arith.muli %add3A_165, %mul3A_166 : i32
    %dma_start3A_168 = tpu.memref_slice %arg4[%mul3A_167] : memref<1048576xf32, #tpu.memory_space<hbm>> -> memref<4096xf32, #tpu.memory_space<hbm>>
    %dma_start3A_169 = tpu.memref_slice %arg4[%mul3A_167] : memref<1048576xf32, #tpu.memory_space<hbm>> -> memref<4096xf32, #tpu.memory_space<hbm>>
    tpu.enqueue_dma source(%arg13 : memref<4096xf32, #tpu.memory_space<vmem>>) target(%dma_start3A_169 : memref<4096xf32, #tpu.memory_space<hbm>>) target_semaphore(%arg21 : memref<!tpu.dma_semaphore, #tpu.memory_space<semaphore_mem>>)
    %add3A_170 = arith.constant 1 : i32
    %add3A_171 = arith.addi %add3A_95, %add3A_170 : i32
    %mul3A_172 = arith.constant 4096 : i32
    %mul3A_173 = arith.muli %add3A_171, %mul3A_172 : i32
    %dma_start3A_174 = tpu.memref_slice %arg4[%mul3A_173] : memref<1048576xf32, #tpu.memory_space<hbm>> -> memref<4096xf32, #tpu.memory_space<hbm>>
    %dma_start3A_175 = tpu.memref_slice %arg4[%mul3A_173] : memref<1048576xf32, #tpu.memory_space<hbm>> -> memref<4096xf32, #tpu.memory_space<hbm>>
    tpu.enqueue_dma source(%arg14 : memref<4096xf32, #tpu.memory_space<vmem>>) target(%dma_start3A_175 : memref<4096xf32, #tpu.memory_space<hbm>>) target_semaphore(%arg21 : memref<!tpu.dma_semaphore, #tpu.memory_space<semaphore_mem>>)
    %add3A_176 = arith.constant 2 : i32
    %add3A_177 = arith.addi %add3A_95, %add3A_176 : i32
    %mul3A_178 = arith.constant 4096 : i32
    %mul3A_179 = arith.muli %add3A_177, %mul3A_178 : i32
    %dma_start3A_180 = tpu.memref_slice %arg4[%mul3A_179] : memref<1048576xf32, #tpu.memory_space<hbm>> -> memref<4096xf32, #tpu.memory_space<hbm>>
    %dma_start3A_181 = tpu.memref_slice %arg4[%mul3A_179] : memref<1048576xf32, #tpu.memory_space<hbm>> -> memref<4096xf32, #tpu.memory_space<hbm>>
    tpu.enqueue_dma source(%arg15 : memref<4096xf32, #tpu.memory_space<vmem>>) target(%dma_start3A_181 : memref<4096xf32, #tpu.memory_space<hbm>>) target_semaphore(%arg21 : memref<!tpu.dma_semaphore, #tpu.memory_space<semaphore_mem>>)
    %add3A_182 = arith.constant 3 : i32
    %add3A_183 = arith.addi %add3A_95, %add3A_182 : i32
    %mul3A_184 = arith.constant 4096 : i32
    %mul3A_185 = arith.muli %add3A_183, %mul3A_184 : i32
    %dma_start3A_186 = tpu.memref_slice %arg4[%mul3A_185] : memref<1048576xf32, #tpu.memory_space<hbm>> -> memref<4096xf32, #tpu.memory_space<hbm>>
    %dma_start3A_187 = tpu.memref_slice %arg4[%mul3A_185] : memref<1048576xf32, #tpu.memory_space<hbm>> -> memref<4096xf32, #tpu.memory_space<hbm>>
    tpu.enqueue_dma source(%arg16 : memref<4096xf32, #tpu.memory_space<vmem>>) target(%dma_start3A_187 : memref<4096xf32, #tpu.memory_space<hbm>>) target_semaphore(%arg21 : memref<!tpu.dma_semaphore, #tpu.memory_space<semaphore_mem>>)
    %dma_wait3A_188 = arith.constant 0 : i32
    %dma_wait3A_189 = tpu.memref_slice %arg4[%dma_wait3A_188] : memref<1048576xf32, #tpu.memory_space<hbm>> -> memref<4096xf32, #tpu.memory_space<hbm>>
    %dma_wait3A_190 = arith.constant 0 : i32
    %dma_wait3A_191 = tpu.memref_slice %arg4[%dma_wait3A_190] : memref<1048576xf32, #tpu.memory_space<hbm>> -> memref<4096xf32, #tpu.memory_space<hbm>>
    tpu.wait_dma2 semaphore(%arg21 : memref<!tpu.dma_semaphore, #tpu.memory_space<semaphore_mem>>) src(%arg9 : memref<4096xf32, #tpu.memory_space<vmem>>) dst(%dma_wait3A_191 : memref<4096xf32, #tpu.memory_space<hbm>>)
    %dma_wait3A_192 = arith.constant 0 : i32
    %dma_wait3A_193 = tpu.memref_slice %arg4[%dma_wait3A_192] : memref<1048576xf32, #tpu.memory_space<hbm>> -> memref<4096xf32, #tpu.memory_space<hbm>>
    %dma_wait3A_194 = arith.constant 0 : i32
    %dma_wait3A_195 = tpu.memref_slice %arg4[%dma_wait3A_194] : memref<1048576xf32, #tpu.memory_space<hbm>> -> memref<4096xf32, #tpu.memory_space<hbm>>
    tpu.wait_dma2 semaphore(%arg21 : memref<!tpu.dma_semaphore, #tpu.memory_space<semaphore_mem>>) src(%arg10 : memref<4096xf32, #tpu.memory_space<vmem>>) dst(%dma_wait3A_195 : memref<4096xf32, #tpu.memory_space<hbm>>)
    %dma_wait3A_196 = arith.constant 0 : i32
    %dma_wait3A_197 = tpu.memref_slice %arg4[%dma_wait3A_196] : memref<1048576xf32, #tpu.memory_space<hbm>> -> memref<4096xf32, #tpu.memory_space<hbm>>
    %dma_wait3A_198 = arith.constant 0 : i32
    %dma_wait3A_199 = tpu.memref_slice %arg4[%dma_wait3A_198] : memref<1048576xf32, #tpu.memory_space<hbm>> -> memref<4096xf32, #tpu.memory_space<hbm>>
    tpu.wait_dma2 semaphore(%arg21 : memref<!tpu.dma_semaphore, #tpu.memory_space<semaphore_mem>>) src(%arg11 : memref<4096xf32, #tpu.memory_space<vmem>>) dst(%dma_wait3A_199 : memref<4096xf32, #tpu.memory_space<hbm>>)
    %dma_wait3A_200 = arith.constant 0 : i32
    %dma_wait3A_201 = tpu.memref_slice %arg4[%dma_wait3A_200] : memref<1048576xf32, #tpu.memory_space<hbm>> -> memref<4096xf32, #tpu.memory_space<hbm>>
    %dma_wait3A_202 = arith.constant 0 : i32
    %dma_wait3A_203 = tpu.memref_slice %arg4[%dma_wait3A_202] : memref<1048576xf32, #tpu.memory_space<hbm>> -> memref<4096xf32, #tpu.memory_space<hbm>>
    tpu.wait_dma2 semaphore(%arg21 : memref<!tpu.dma_semaphore, #tpu.memory_space<semaphore_mem>>) src(%arg12 : memref<4096xf32, #tpu.memory_space<vmem>>) dst(%dma_wait3A_203 : memref<4096xf32, #tpu.memory_space<hbm>>)
    %dma_wait3A_204 = arith.constant 0 : i32
    %dma_wait3A_205 = tpu.memref_slice %arg4[%dma_wait3A_204] : memref<1048576xf32, #tpu.memory_space<hbm>> -> memref<4096xf32, #tpu.memory_space<hbm>>
    %dma_wait3A_206 = arith.constant 0 : i32
    %dma_wait3A_207 = tpu.memref_slice %arg4[%dma_wait3A_206] : memref<1048576xf32, #tpu.memory_space<hbm>> -> memref<4096xf32, #tpu.memory_space<hbm>>
    tpu.wait_dma2 semaphore(%arg21 : memref<!tpu.dma_semaphore, #tpu.memory_space<semaphore_mem>>) src(%arg13 : memref<4096xf32, #tpu.memory_space<vmem>>) dst(%dma_wait3A_207 : memref<4096xf32, #tpu.memory_space<hbm>>)
    %dma_wait3A_208 = arith.constant 0 : i32
    %dma_wait3A_209 = tpu.memref_slice %arg4[%dma_wait3A_208] : memref<1048576xf32, #tpu.memory_space<hbm>> -> memref<4096xf32, #tpu.memory_space<hbm>>
    %dma_wait3A_210 = arith.constant 0 : i32
    %dma_wait3A_211 = tpu.memref_slice %arg4[%dma_wait3A_210] : memref<1048576xf32, #tpu.memory_space<hbm>> -> memref<4096xf32, #tpu.memory_space<hbm>>
    tpu.wait_dma2 semaphore(%arg21 : memref<!tpu.dma_semaphore, #tpu.memory_space<semaphore_mem>>) src(%arg14 : memref<4096xf32, #tpu.memory_space<vmem>>) dst(%dma_wait3A_211 : memref<4096xf32, #tpu.memory_space<hbm>>)
    %dma_wait3A_212 = arith.constant 0 : i32
    %dma_wait3A_213 = tpu.memref_slice %arg4[%dma_wait3A_212] : memref<1048576xf32, #tpu.memory_space<hbm>> -> memref<4096xf32, #tpu.memory_space<hbm>>
    %dma_wait3A_214 = arith.constant 0 : i32
    %dma_wait3A_215 = tpu.memref_slice %arg4[%dma_wait3A_214] : memref<1048576xf32, #tpu.memory_space<hbm>> -> memref<4096xf32, #tpu.memory_space<hbm>>
    tpu.wait_dma2 semaphore(%arg21 : memref<!tpu.dma_semaphore, #tpu.memory_space<semaphore_mem>>) src(%arg15 : memref<4096xf32, #tpu.memory_space<vmem>>) dst(%dma_wait3A_215 : memref<4096xf32, #tpu.memory_space<hbm>>)
    %dma_wait3A_216 = arith.constant 0 : i32
    %dma_wait3A_217 = tpu.memref_slice %arg4[%dma_wait3A_216] : memref<1048576xf32, #tpu.memory_space<hbm>> -> memref<4096xf32, #tpu.memory_space<hbm>>
    %dma_wait3A_218 = arith.constant 0 : i32
    %dma_wait3A_219 = tpu.memref_slice %arg4[%dma_wait3A_218] : memref<1048576xf32, #tpu.memory_space<hbm>> -> memref<4096xf32, #tpu.memory_space<hbm>>
    tpu.wait_dma2 semaphore(%arg21 : memref<!tpu.dma_semaphore, #tpu.memory_space<semaphore_mem>>) src(%arg16 : memref<4096xf32, #tpu.memory_space<vmem>>) dst(%dma_wait3A_219 : memref<4096xf32, #tpu.memory_space<hbm>>)
    return
  }
}

module attributes {stable_mosaic.version = 14 : i64} {
  func.func @_tc_body(%arg0: i32, %arg1: memref<256x512xf32, #tpu.memory_space<vmem>>, %arg2: memref<1x512xf32, #tpu.memory_space<vmem>>, %arg3: memref<256x512xf32, #tpu.memory_space<vmem>>) attributes {dimension_semantics = [#tpu.dimension_semantics<arbitrary>], iteration_bounds = array<i64: 8>, scalar_prefetch = 0 : i64, scratch_operands = 0 : i64, tpu.core_type = #tpu.core_type<tc>, window_params = [{transform_indices = @transform_0, window_bounds = array<i64: 256, 512>}, {transform_indices = @transform_1, window_bounds = array<i64: 1, 512>}, {transform_indices = @transform_2, window_bounds = array<i64: 256, 512>}]} {
    %get3A = arith.constant 0 : index
    %get3A_0 = arith.constant 0 : index
    %get3A_1 = vector.load %arg1[%get3A, %get3A_0] : memref<256x512xf32, #tpu.memory_space<vmem>>, vector<256x512xf32>
    %get3A_2 = arith.constant 0 : index
    %get3A_3 = arith.constant 0 : index
    %get3A_4 = vector.load %arg2[%get3A_2, %get3A_3] : memref<1x512xf32, #tpu.memory_space<vmem>>, vector<1x512xf32>
    %add3A = vector.broadcast %get3A_4 : vector<1x512xf32> to vector<256x512xf32>
    %add3A_5 = arith.addf %get3A_1, %add3A : vector<256x512xf32>
    %reduce_sum3A = arith.constant dense<0.000000e+00> : vector<512xf32>
    %reduce_sum3A_6 = vector.multi_reduction <add>, %add3A_5, %reduce_sum3A [0] : vector<256x512xf32> to vector<512xf32>
    %broadcast_in_dim3A = vector.shape_cast %reduce_sum3A_6 : vector<512xf32> to vector<1x512xf32>
    %div3A = arith.constant 2.560000e+02 : f32
    %div3A_7 = vector.broadcast %div3A : f32 to vector<1x512xf32>
    %div3A_8 = arith.divf %broadcast_in_dim3A, %div3A_7 : vector<1x512xf32>
    %sub3A = vector.broadcast %div3A_8 : vector<1x512xf32> to vector<256x512xf32>
    %sub3A_9 = arith.subf %add3A_5, %sub3A : vector<256x512xf32>
    %mul3A = arith.mulf %sub3A_9, %sub3A_9 : vector<256x512xf32>
    %reduce_sum3A_10 = arith.constant dense<0.000000e+00> : vector<512xf32>
    %reduce_sum3A_11 = vector.multi_reduction <add>, %mul3A, %reduce_sum3A_10 [0] : vector<256x512xf32> to vector<512xf32>
    %broadcast_in_dim3A_12 = vector.shape_cast %reduce_sum3A_11 : vector<512xf32> to vector<1x512xf32>
    %div3A_13 = arith.constant 2.560000e+02 : f32
    %div3A_14 = vector.broadcast %div3A_13 : f32 to vector<1x512xf32>
    %div3A_15 = arith.divf %broadcast_in_dim3A_12, %div3A_14 : vector<1x512xf32>
    %add3A_16 = arith.constant 9.99999974E-6 : f32
    %add3A_17 = vector.broadcast %add3A_16 : f32 to vector<1x512xf32>
    %add3A_18 = arith.addf %div3A_15, %add3A_17 : vector<1x512xf32>
    %rsqrt3A = math.rsqrt %add3A_18 : vector<1x512xf32>
    %mul3A_19 = vector.broadcast %rsqrt3A : vector<1x512xf32> to vector<256x512xf32>
    %mul3A_20 = arith.mulf %sub3A_9, %mul3A_19 : vector<256x512xf32>
    %ge3A = arith.constant 0.000000e+00 : f32
    %ge3A_21 = vector.broadcast %ge3A : f32 to vector<256x512xf32>
    %ge3A_22 = arith.cmpf oge, %mul3A_20, %ge3A_21 : vector<256x512xf32>
    %mul3A_23 = arith.constant 0.00999999977 : f32
    %mul3A_24 = vector.broadcast %mul3A_23 : f32 to vector<256x512xf32>
    %mul3A_25 = arith.mulf %mul3A_24, %mul3A_20 : vector<256x512xf32>
    %select_n3A = arith.select %ge3A_22, %mul3A_20, %mul3A_25 : vector<256x512xi1>, vector<256x512xf32>
    %swap3A = arith.constant 0 : index
    %swap3A_26 = arith.constant 0 : index
    %swap3A_27 = vector.load %arg3[%swap3A, %swap3A_26] : memref<256x512xf32, #tpu.memory_space<vmem>>, vector<256x512xf32>
    tpu.vector_store %arg3[%swap3A, %swap3A_26], %select_n3A {strides = array<i32>} : memref<256x512xf32, #tpu.memory_space<vmem>>, vector<256x512xf32>,
    return
  }
  func.func @transform_0(%arg0: i32) -> (i32, i32) {
    %c0_i32 = arith.constant 0 : i32
    %c0_i32_0 = arith.constant 0 : i32
    return %c0_i32, %arg0 : i32, i32
  }
  func.func @transform_1(%arg0: i32) -> (i32, i32) {
    %c0_i32 = arith.constant 0 : i32
    %c0_i32_0 = arith.constant 0 : i32
    return %c0_i32, %arg0 : i32, i32
  }
  func.func @transform_2(%arg0: i32) -> (i32, i32) {
    %c0_i32 = arith.constant 0 : i32
    %c0_i32_0 = arith.constant 0 : i32
    return %c0_i32, %arg0 : i32, i32
  }
}

</mosaic_0001>

<sc_bundles>
// kernel: kernel.4.cloned.1.call-start
scs
__scs_entry_jumppad:
0x0: {  	(pc) =	sbr.rel $0x88, $3  }
0x1: {  	(tag) =	ssettag $0x0;
	lr =	simm.s32 $0x1  }
0x2: {  	[smem:$0x3F9C] =	sst lr;
	_ =	strace $0xD0000000  }
0x3: {  	_ = 	snop  }
0x4: {  	_ = 	snop  }
0x5: {  	_ = 	snop  }
0x6: {  	_ = 	snop  }
0x7: {  	_ = 	snop  }
__scs_overlays_trampoline_lowered:
0x8: {  	[smem:$0x3FAB] =	sst s0  }
0x9: {  	[smem:$0x3FAC] =	sst s1  }
0xa: {  	[smem:$0x3FAD] =	sst s2  }
0xb: {  	[smem:$0x3FAE] =	sst s3  }
0xc: {  	[smem:$0x3FAF] =	sst s4  }
0xd: {  	[smem:$0x3FB0] =	sst s5  }
0xe: {  	[smem:$0x3FB1] =	sst s6  }
0xf: {  	[smem:$0x3FB2] =	sst s7  }
0x10: {  	[smem:$0x3FB3] =	sst s8  }
0x11: {  	[smem:$0x3FB4] =	sst s9;
	s0 =	simm.s32 @!p0 $0x0  }
0x12: {  	s1 =	sld [smem:$0x3F9A];
	s0 =	simm.s32 @p0 $0x1  }
0x13: {  	[smem:$0x3FB5] =	sst s0;
	s0 =	simm.s32 @!p1 $0x0  }
0x14: {  	s2 =	sld [smem:$0x3F99];
	s0 =	simm.s32 @p1 $0x1  }
0x15: {  	[smem:$0x3FB6] =	sst s0;
	s0 =	simm.s32 @!p2 $0x0  }
0x16: {  	s3 =	sld [smem:$0x3FDB];
	s0 =	simm.s32 @p2 $0x1  }
0x17: {  	s4 =	simm.s32 $0x1BF5;
	[smem:$0x3FB8] =	sst s0  }
0x18: {  	s0 =	sld [smem:$0x3F9B];
	_ =	swait.ge [sflag:s4], $0x0  }
0x19: {  	s7 =	sld [smem:$0x3F9C]  }
0x1a: {  	s8 =	sadd.s32 $0xFFFFE003, lr  }
0x1b: {  	s9 =	sadd.s32 $0xFFFFFEF7, lr;
	s5 =	simm.s32 $0xFFFFFFFF;
	p2 =	slt.u32 s8, $0xFFFFF086  }
0x1c: {  	p1 =	slt.u32 s9, $0xF7A;
	s5 =	simm.s32 @!p2 $0x0  }
0x1d: {  	s5 =	simm.s32 @p1 $0x1;
	p0 =	seq.s32 s7, s2  }
0x1e: {  	s7 =	smul.u32 @!p0 $0xF7A, s2;
	p2 =	seq.s32 @!p0 s5, $0x0  }
0x1f: {  	s9 =	smul.u32 $0xF7A, s1;
	s8 =	simm.s32 @!p0 $0x1BF5;
	p2 =	por !p2, p0  }
0x20: {  	[sflag:s8] =	ssyncset.s32 @!p0 $0xFFFFF086;
	s6 =	sadd.s32 @!p0 s3, s7;
	s7 =	simm.s32 @!p0 $0x108  }
0x21: {  	s3 =	sadd.s32 s3, s9;
	s6 =	sadd.s32 @!p0 $0x88, s6;
	s7 =	simm.s32 @p2 $0x1082  }
0x22: {  	[simem:s7], [sflag:s8] =	dma.local @!p0 [hbm:s6], $0xF7A  }
0x23: {  	s9 =	sor.u32 $0xD0000000, s2;
	s6 =	simm.s32 $0x108;
	_ =	swait.ge @!p0 [sflag:s8], $0x0  }
0x24: {  	s3 =	sadd.s32 $0x88, s3;
	s6 =	simm.s32 @!p1 $0x1082;
	[sflag:s4] =	ssyncset.s32 $0xFFFFF086  }
0x25: {  	[simem:s6], [sflag:s4] =	dma.local [hbm:s3], $0xF7A  }
0x26: {  	[smem:$0x3F9C] =	sst s1;
	(tag) =	ssettag s2;
	_ =	strace s9  }
0x27: {  	s1 =	sld [smem:$0x3FAC]  }
0x28: {  	s2 =	sld [smem:$0x3FAD]  }
0x29: {  	s4 =	sld [smem:$0x3FAF]  }
0x2a: {  	p0 =	seq.s32 s5, $0x0;
	s5 =	sld [smem:$0x3FB0]  }
0x2b: {  	s6 =	sld [smem:$0x3FB1]  }
0x2c: {  	s7 =	sld [smem:$0x3FB2]  }
0x2d: {  	s3 =	simm.s32 $0x108;
	s8 =	sld [smem:$0x3FB3]  }
0x2e: {  	s3 =	simm.s32 @!p0 $0x1082;
	s9 =	sld [smem:$0x3FB4]  }
0x2f: {  	lr =	sadd.s32 s0, s3;
	s0 =	sld [smem:$0x3FAB]  }
0x30: {  	s3 =	sld [smem:$0x3FAE]  }
0x31: {  	[smem:$0x3FB7] =	sst s10  }
0x32: {  	s10 =	sld [smem:$0x3FB5];
	_ =	sdelay $0x3  }
0x33: {  	p0 =	seq.s32 s10, $0x1;
	s10 =	sld [smem:$0x3FB7];
	_ =	sdelay $0x3  }
0x34: {  	[smem:$0x3FB7] =	sst s10  }
0x35: {  	s10 =	sld [smem:$0x3FB6];
	_ =	sdelay $0x3  }
0x36: {  	p1 =	seq.s32 s10, $0x1;
	s10 =	sld [smem:$0x3FB7];
	_ =	sdelay $0x3  }
0x37: {  	[smem:$0x3FB7] =	sst s10  }
0x38: {  	s10 =	sld [smem:$0x3FB8]  }
0x39: {  	_ = 	snop;
	(pc) =	sbr.ind lr, $3  }
0x3a: {  	_ = 	snop  }
0x3b: {  	_ = 	snop  }
0x3c: {  	p2 =	seq.s32 s10, $0x1;
	s10 =	sld [smem:$0x3FB7]  }
0x3d: {  	_ =	shalt  }
0x3e: {  	_ =	shalt  }
0x3f: {  	_ =	shalt  }
0x40: {  	_ =	shalt  }
0x41: {  	_ =	shalt  }
0x42: {  	_ =	shalt  }
0x43: {  	_ =	shalt  }
0x44: {  	_ =	shalt  }
0x45: {  	_ =	shalt  }
0x46: {  	_ =	shalt  }
0x47: {  	_ =	shalt  }
0x48: {  	_ =	shalt  }
0x49: {  	_ =	shalt  }
0x4a: {  	_ =	shalt  }
0x4b: {  	_ =	shalt  }
0x4c: {  	_ =	shalt  }
0x4d: {  	_ =	shalt  }
0x4e: {  	_ =	shalt  }
0x4f: {  	_ =	shalt  }
0x50: {  	_ =	shalt  }
0x51: {  	_ =	shalt  }
0x52: {  	_ =	shalt  }
0x53: {  	_ =	shalt  }
0x54: {  	_ =	shalt  }
0x55: {  	_ =	shalt  }
0x56: {  	_ =	shalt  }
0x57: {  	_ =	shalt  }
0x58: {  	_ =	shalt  }
0x59: {  	_ =	shalt  }
0x5a: {  	_ =	shalt  }
0x5b: {  	_ =	shalt  }
0x5c: {  	_ =	shalt  }
0x5d: {  	_ =	shalt  }
0x5e: {  	_ =	shalt  }
0x5f: {  	_ =	shalt  }
0x60: {  	_ =	shalt  }
0x61: {  	_ =	shalt  }
0x62: {  	_ =	shalt  }
0x63: {  	_ =	shalt  }
0x64: {  	_ =	shalt  }
0x65: {  	_ =	shalt  }
0x66: {  	_ =	shalt  }
0x67: {  	_ =	shalt  }
0x68: {  	_ =	shalt  }
0x69: {  	_ =	shalt  }
0x6a: {  	_ =	shalt  }
0x6b: {  	_ =	shalt  }
0x6c: {  	_ =	shalt  }
0x6d: {  	_ =	shalt  }
0x6e: {  	_ =	shalt  }
0x6f: {  	_ =	shalt  }
0x70: {  	_ =	shalt  }
0x71: {  	_ =	shalt  }
0x72: {  	_ =	shalt  }
0x73: {  	_ =	shalt  }
0x74: {  	_ =	shalt  }
0x75: {  	_ =	shalt  }
0x76: {  	_ =	shalt  }
0x77: {  	_ =	shalt  }
0x78: {  	_ =	shalt  }
0x79: {  	_ =	shalt  }
0x7a: {  	_ =	shalt  }
0x7b: {  	_ =	shalt  }
0x7c: {  	_ =	shalt  }
0x7d: {  	_ =	shalt  }
0x7e: {  	_ =	shalt  }
0x7f: {  	_ =	shalt  }
0x80: {  	_ =	shalt  }
0x81: {  	_ =	shalt  }
0x82: {  	_ =	shalt  }
0x83: {  	_ =	shalt  }
0x84: {  	_ =	shalt  }
0x85: {  	_ =	shalt  }
0x86: {  	_ =	shalt  }
0x87: {  	_ =	shalt  }
.Lfunc_end0:
.L_simem_size_0:
called_computation_lowered:
.L_overlay_start_0:
0x88: {  	s2 =	sld [smem:$0x3FD9]  }
0x89: {  	s3 =	sld [smem:$0x3FFE];
	_ =	sdelay $0x1  }
0x8a: {  	s1 =	srdreg.scid  }
0x8b: {  	s0 =	sand.u32 $0x1, s1  }
0x8c: {  	s17 =	sshll.u32 s0, $0xA;
	s2 =	sadd.s32 s3, s2  }
0x8d: {  	s2 =	sadd.s32 s2, s17  }
0x8e: {  	[smem:$0x3FC3] =	sst s2  }
0x8f: {  	_ = 	snop  }
0x90: {  	s2 =	sld [smem:$0x3FD0];
	(tm) =	ssettm $0x1  }
0x91: {  	s18 =	sld [smem:$0x3FFB];
	_ =	sdelay $0x3  }
0x92: {  	_ =	strace s18  }
0x93: {  	s3 =	sld [smem:$0x3FFC];
	_ =	sdelay $0x3  }
0x94: {  	_ =	strace s3  }
0x95: {  	s3 =	sld [smem:$0x3FFD];
	_ =	sdelay $0x3  }
0x96: {  	_ =	strace s3  }
0x97: {  	_ =	strace $0x8FFFFFFF  }
0x98: {  	s19 =	sld [smem:$0x3FDB];
	_ =	sdelay $0x1  }
0x99: {  	s4 =	simm.s32 $_scs_section_size  }
0x9a: {  	s5 =	simm.s32 $_size__tile_overlayer_lowered;
	s6 =	simm.s32 $_tile_overlayer_lowered  }
0x9b: {  	s22 =	simm.s32 $0x1BFF;
	s21 =	sshll.u32 s6, $0x1;
	s3 =	sadd.s32 s4, s19  }
0x9c: {  	s7 =	simm.s32 $0x0;
	s20 =	sshll.u32 s5, $0x1;
	s5 =	sadd.s32 s21, s3  }
0x9d: {  	[timem:s7], [sflag:s22] =	dma.local [hbm:s5], s20  }
0x9e: {  	_ =	swait.ge [sflag:s22], s20  }
0x9f: {  	s4 =	ssub.s32 $0x0, s20;
	[sflag:s22] =	ssyncset.done $0x0  }
0xa0: {  	[sflag:s22] =	ssyncadd.s32 s4;
	_ =	sdelay $0x1  }
0xa1: {  	s23 =	simm.s32 $0x1B8B  }
0xa2: {  	_ =	swait.ge [sflag:s23], $0x1  }
0xa3: {  	[sflag:s23] =	ssyncset.done $0x0  }
0xa4: {  	s25 =	simm.s32 $0x1B8E;
	s24 =	sld [smem:$0x3FFE];
	[sflag:s23] =	ssyncadd.s32 $0xFFFFFFFF  }
0xa5: {  	s26 =	simm.s32 $execute0_lowered;
	[smem:$0x3FD2] =	sst s25  }
0xa6: {  	s5 =	sshll.u32 s26, $0x1;
	_ =	strace $0x80000046;
	[dreg:$0x1] =	wrdreg $0xFFFFFFFF  }
0xa7: {  	s28 =	simm.s32 $_size_execute0_lowered;
	s3 =	sadd.s32 s3, s5;
	[dreg:$0x0] =	wrdreg $0x0  }
0xa8: {  	s5 =	sshll.u32 s28, $0x1;
	[dreg:$0x2] =	wrdreg s3  }
0xa9: {  	[dreg:$0x3] =	wrdreg s5  }
0xaa: {  	[dreg:$0x4] =	wrdreg $0xC0  }
0xab: {  	_ =	task [dreg:s7], $0x5FFFF  }
0xac: {  	[dreg:$0x1] =	wrdreg $0xFFFFFFFF  }
0xad: {  	[dreg:$0x0] =	wrdreg $0x60  }
0xae: {  	[dreg:$0x2] =	wrdreg s24  }
0xaf: {  	[dreg:$0x3] =	wrdreg s2  }
0xb0: {  	[dreg:$0x4] =	wrdreg $0x9  }
0xb1: {  	_ =	task.clear_ibuf [dreg:s7], $0x5FFFF;
	_ =	strace $0x90000046  }
0xb2: {  	s29 =	simm.s32 $0x9;
	_ =	strace $0x80000048  }
0xb3: {  	_ =	swait.ge [sflag:s29], $0x1  }
0xb4: {  	[sflag:s29] =	ssyncadd.s32 $0xFFFFFFFF  }
0xb5: {  	_ =	strace $0x90000048  }
0xb6: {  	_ =	sfence  }
0xb7: {  	s30 =	sld [smem:$0x0];
	_ =	sdelay $0x2  }
0xb8: {  	s31 =	sshll.u32 s1, $0xD;
	s1 =	sshrl.u32 s1, $0x2  }
0xb9: {  	s3 =	sand.u32 $0x4000, s31;
	s1 =	sadd.s32 s1, s30  }
0xba: {  	s0 =	sor.u32 s3, s0;
	s1 =	sshll.u32 s1, $0x11  }
0xbb: {  	s0 =	sor.u32 s1, s0  }
0xbc: {  	s0 =	sadd.s32 $0x8F2B, s0  }
0xbd: {  	[sflag:s0] =	ssyncadd.remote.s32 $0x1  }
0xbe: {  	_ =	sfence.sel $0xFFFF  }
0xbf: {  	[dreg:$0x0] =	wrdreg $0xFFFFFFFF;
	(pc) =	sbr.abs _section_cstart, $3  }
0xc0: {  	[dreg:$0x1] =	wrdreg $0xFFFFFFFF  }
0xc1: {  	_ =	task.clear_ibuf [dreg:s7], $0x2FFFF;
	_ =	strace $0x9FFFFFFF  }
0xc2: {  	(tm) =	ssettm $0x7FFFFFFF  }
0xc3: {  	_ =	shalt  }
tec
execute0_lowered:
.L_overlay_start_1:
0x0: {  	(tag) =	ssettag $0x1  }
0x1: {  	s0 =	rddreg [dreg:$0x0]  }
0x2: {  	s1 =	rddreg [dreg:$0x1];
	s2 =	simm.s32 $0x0  }
0x3: {  	s3 =	srdreg.scid;
	s7 =	stileid.u32;
	s28 =	simm.s32 $0x2  }
0x4: {  	s29 =	simm.s32 $0x1;
	s30 =	simm.s32 $0x10000;
	s31 =	simm.s32 $0x11000  }
0x5: {  	[smem:$0x7FF] =	sst s2;
	s4 =	sand.u32 $0x1, s3;
	s5 =	sadd.s32 $0xC600, s0  }
0x6: {  	s7 =	sshll.u32 s7, $0x1;
	s3 =	sadd.s32 $0x600, s0;
	_ =	strace $0x80000047  }
0x7: {  	s6 =	ssub.s32 $0x2, s4;
	s7 =	sor.u32 s4, s7;
	s4 =	sadd.s32 $0xC00, s0  }
0x8: {  	s8 =	sshrl.u32 s6, $0x1;
	s22 =	sshll.u32 s7, $0x2;
	s9 =	sshll.u32 s7, $0xD  }
0x9: {  	s11 =	sshllo.u32 s7, $0x2;
	s7 =	sshll.u32 s7, $0xB;
	s6 =	ssub.s32 s6, s8  }
0xa: {  	s23 =	sadd.s32 s5, s9;
	s24 =	sor.u32 $0x1, s22;
	s10 =	sor.u32 $0x2, s22  }
0xb: {  	s12 =	sshll.u32 s11, $0xB;
	s7 =	sadd.s32 s1, s7;
	s15 =	sor.u32 $0x80, s22  }
0xc: {  	s16 =	sshll.u32 s11, $0x9;
	s18 =	sor.u32 $0x81, s22;
	s21 =	sor.u32 $0x82, s22  }
0xd: {  	s8 =	sor.u32 $0x83, s22;
	[dreg:$0x3] =	wrdreg s23;
	s25 =	sshll.u32 s24, $0xB  }
0xe: {  	s26 =	sshll.u32 s10, $0xB;
	s12 =	sadd.s32 s5, s12;
	[dreg:$0x7] =	wrdreg s7  }
0xf: {  	s0 =	sshll.u32 s24, $0x9;
	s13 =	sshll.u32 s10, $0x9;
	s17 =	sshll.u32 s15, $0xB  }
0x10: {  	s7 =	sadd.s32 s1, s16;
	s20 =	sshll.u32 s18, $0xB;
	s22 =	sshll.u32 s21, $0xB  }
0x11: {  	s23 =	sshll.u32 s8, $0xB;
	s24 =	sshll.u32 s18, $0x9;
	[dreg:$0x6] =	wrdreg s12  }
0x12: {  	s10 =	simm.s32 $0x0;
	s9 =	sadd.s32 s5, s25;
	[dreg:$0xa] =	wrdreg s7  }
0x13: {  	s0 =	sadd.s32 s1, s0;
	s14 =	sadd.s32 s1, s13;
	[dreg:$0x4] =	wrdreg s9  }
0x14: {  	s19 =	sadd.s32 s5, s17;
	s7 =	sadd.s32 s5, s20;
	[dreg:$0x8] =	wrdreg s0  }
0x15: {  	s25 =	sshll.u32 s21, $0x9;
	s18 =	sadd.s32 s1, s24;
	[dreg:$0x9] =	wrdreg s14  }
0x16: {  	s21 =	smax.u32 s6, $0x1;
	s24 =	simm.s32 $0x4000;
	[dreg:$0xb] =	wrdreg s19  }
0x17: {  	s6 =	simm.s32 $0x15000;
	s9 =	sadd.s32 s5, s26;
	[dreg:$0xc] =	wrdreg s7  }
0x18: {  	s0 =	sshll.u32 s15, $0x9;
	s26 =	sshll.u32 s8, $0x9;
	s19 =	sadd.s32 s1, s25  }
0x19: {  	s25 =	simm.s32 $0x8000;
	s7 =	simm.s32 $0x16000;
	s8 =	simm.s32 $0x17000  }
0x1a: {  	[dreg:$0x5] =	wrdreg s9;
	s9 =	sadd.s32 s5, s22;
	s5 =	sadd.s32 s5, s23  }
0x1b: {  	s0 =	sadd.s32 s1, s0;
	s20 =	sadd.s32 s1, s26;
	[dreg:$0xd] =	wrdreg s9  }
0x1c: {  	s22 =	simm.s32 $0x18000;
	s23 =	simm.s32 $0x1B000;
	[dreg:$0xe] =	wrdreg s5  }
0x1d: {  	s26 =	simm.s32 $0xC000;
	s1 =	simm.s32 $0x13000;
	[dreg:$0xf] =	wrdreg s0  }
0x1e: {  	v0 =	vimm.f32 $0.0e+00;
	s0 =	simm.s32 $0x12000;
	s5 =	simm.s32 $0x14000;
	s9 =	simm.s32 $0x3  }
.LBB2_1:
0x1f: {  	[tilespmem:s22], [sflag:$0x1] =	stream.linear.gather [hbm4b:s3+s2], $0x3000, $0x38;
	[tilespmem:$0x1E000] =	vst v63  }
0x20: {  	_ = 	snop  }
0x21: {  	[tilespmem:s23], [sflag:$0x1] =	stream.linear.gather [hbm4b:s4+s2], $0x3000, $0x38;
	[tilespmem:$0x1E000] =	vst v63  }
0x22: {  	s11 =	rddreg [dreg:$0x3]  }
0x23: {  	[tilespmem:s2], [sflag:$0x2] =	stream.linear.gather [hbm4b:s11+s2], $0x4000, $0x38;
	[tilespmem:$0x1E000] =	vst v63  }
0x24: {  	s15 =	rddreg [dreg:$0x4]  }
0x25: {  	[tilespmem:s24], [sflag:$0x2] =	stream.linear.gather [hbm4b:s15+s2], $0x4000, $0x38;
	[tilespmem:$0x1E000] =	vst v63  }
0x26: {  	s16 =	rddreg [dreg:$0x5]  }
0x27: {  	[tilespmem:s25], [sflag:$0x2] =	stream.linear.gather [hbm4b:s16+s2], $0x4000, $0x38;
	[tilespmem:$0x1E000] =	vst v63  }
0x28: {  	s17 =	rddreg [dreg:$0x6];
	s12 =	simm.s32 $0x80;
	s11 =	simm.s32 $0x0  }
0x29: {  	[tilespmem:s26], [sflag:$0x2] =	stream.linear.gather [hbm4b:s17+s2], $0x4000, $0x38;
	[tilespmem:$0x1E000] =	vst v63  }
.LBB2_2:
0x2a: {  	p0 =	sne.s32 s12, $0x3F80;
	[tilespmem:s11+$0x13010] =	vst v0  }
0x2b: {  	[tilespmem:s11+$0x10000] =	vst v0  }
0x2c: {  	[tilespmem:s11+$0x10010] =	vst v0  }
.Ltmp0:
0x2d: {  	[tilespmem:s11+$0x11000] =	vst v0;
	(pc) =	sbr.rel @p0 .LBB2_2-.Ltmp0, $4  }
0x2e: {  	[tilespmem:s11+$0x11010] =	vst v0  }
0x2f: {  	[tilespmem:s11+$0x12000] =	vst v0  }
0x30: {  	[tilespmem:s11+$0x12010] =	vst v0  }
0x31: {  	[tilespmem:s11+$0x13000] =	vst v0;
	s11 =	sshra.s32 s12, $0x2;
	s12 =	sadd.s32 $0x80, s12  }
0x32: {  	[tilespmem:s11+$0x13010] =	vst v0  }
0x33: {  	[tilespmem:s11+$0x10000] =	vst v0  }
0x34: {  	[tilespmem:s11+$0x10010] =	vst v0  }
0x35: {  	[tilespmem:s11+$0x11000] =	vst v0  }
0x36: {  	[tilespmem:s11+$0x11010] =	vst v0  }
0x37: {  	[tilespmem:s11+$0x12000] =	vst v0  }
0x38: {  	[tilespmem:s11+$0x12010] =	vst v0  }
0x39: {  	[tilespmem:s11+$0x13000] =	vst v0  }
0x3a: {  	_ =	swait.ge [sflag:s28], $0x4000  }
0x3b: {  	[sflag:s28] =	ssyncset.done $0x0  }
0x3c: {  	[sflag:s28] =	ssyncadd.s32 $0xFFFFC000  }
0x3d: {  	_ =	swait.ge [sflag:s28], $0x4000  }
0x3e: {  	[sflag:s28] =	ssyncset.done $0x0  }
0x3f: {  	[sflag:s28] =	ssyncadd.s32 $0xFFFFC000  }
0x40: {  	_ =	swait.ge [sflag:s28], $0x4000  }
0x41: {  	[sflag:s28] =	ssyncset.done $0x0  }
0x42: {  	[sflag:s28] =	ssyncadd.s32 $0xFFFFC000  }
0x43: {  	_ =	swait.ge [sflag:s28], $0x4000  }
0x44: {  	[sflag:s28] =	ssyncset.done $0x0  }
0x45: {  	s11 =	simm.s32 $0x0;
	s12 =	simm.s32 $0x0;
	[sflag:s28] =	ssyncadd.s32 $0xFFFFC000  }
.LBB2_4:
0x46: {  	_ =	swait.ge [sflag:s29], $0x3000  }
0x47: {  	[sflag:s29] =	ssyncset.done $0x0  }
0x48: {  	s14 =	sand.u32 $0xFC0, s11;
	[sflag:s29] =	ssyncadd.s32 $0xFFFFD000  }
0x49: {  	s13 =	simm.s32 $0x19020;
	v2 =	vld [tilespmem:s14+$0x1A000]  }
0x4a: {  	v10 =	vld [tilespmem:s13+$0xFFFFF010]  }
0x4b: {  	v1 =	vld [tilespmem:s14+$0x19000]  }
0x4c: {  	v8 =	vld [tilespmem:s13+$0xFFFFEFF0]  }
0x4d: {  	v7 =	vld [tilespmem:s13+$0xFFFFF000]  }
0x4e: {  	v11 =	vld [tilespmem:s13+$0xFFFFEFE0]  }
0x4f: {  	v4 =	vld [tilespmem:s13+$0xFF0]  }
0x50: {  	v3 =	vld [tilespmem:s13+$0x1000]  }
0x51: {  	v9 =	vld [tilespmem:s13+$0x10]  }
0x52: {  	v12 =	vld [tilespmem:s13+$0x1010]  }
0x53: {  	v5 =	vld [tilespmem:s13+$0xFFFFFFF0]  }
0x54: {  	v13 =	vld.idx.msk [tilespmem:v10+s2+$0x0], $0xffff  }
0x55: {  	v14 =	vld.idx.msk [tilespmem:v8+s2+$0x0], $0xffff  }
0x56: {  	v6 =	vld [tilespmem:s13+$0x0]  }
0x57: {  	v15 =	vld.idx.msk [tilespmem:v11+s2+$0x0], $0xffff  }
0x58: {  	v16 =	vld.idx.msk [tilespmem:v7+s2+$0x0], $0xffff  }
0x59: {  	v13 =	vmul.f32 v13, v12  }
0x5a: {  	v14 =	vmul.f32 v14, v4  }
0x5b: {  	[tilespmem:v9+s30+$0x0] =	vst.idx.add.f32.msk $0xffff, v13  }
0x5c: {  	v13 =	vmul.f32 v15, v2;
	[tilespmem:v5+s30+$0x0] =	vst.idx.add.f32.msk $0xffff, v14  }
0x5d: {  	v14 =	vmul.f32 v16, v3;
	v15 =	vld.idx.msk [tilespmem:v10+s24+$0x0], $0xffff  }
0x5e: {  	[tilespmem:v1+s30+$0x0] =	vst.idx.add.f32.msk $0xffff, v13  }
0x5f: {  	[tilespmem:v6+s30+$0x0] =	vst.idx.add.f32.msk $0xffff, v14  }
0x60: {  	v14 =	vld.idx.msk [tilespmem:v8+s24+$0x0], $0xffff  }
0x61: {  	v13 =	vld.idx.msk [tilespmem:v11+s24+$0x0], $0xffff;
	_ =	sdelay $0x1  }
0x62: {  	v16 =	vld.idx.msk [tilespmem:v7+s24+$0x0], $0xffff;
	v15 =	vmul.f32 v15, v12;
	_ =	sdelay $0x1  }
0x63: {  	v14 =	vmul.f32 v14, v4;
	[tilespmem:v9+s31+$0x0] =	vst.idx.add.f32.msk $0xffff, v15  }
0x64: {  	v13 =	vmul.f32 v13, v2;
	v15 =	vld.idx.msk [tilespmem:v10+s25+$0x0], $0xffff  }
0x65: {  	[tilespmem:v5+s31+$0x0] =	vst.idx.add.f32.msk $0xffff, v14  }
0x66: {  	v16 =	vmul.f32 v16, v3;
	[tilespmem:v1+s31+$0x0] =	vst.idx.add.f32.msk $0xffff, v13  }
0x67: {  	v13 =	vld.idx.msk [tilespmem:v11+s25+$0x0], $0xffff  }
0x68: {  	[tilespmem:v6+s31+$0x0] =	vst.idx.add.f32.msk $0xffff, v16  }
0x69: {  	v14 =	vld.idx.msk [tilespmem:v8+s25+$0x0], $0xffff;
	v16 =	vmul.f32 v15, v12  }
0x6a: {  	v15 =	vld.idx.msk [tilespmem:v7+s25+$0x0], $0xffff  }
0x6b: {  	s15 =	simm.s32 $0x40;
	s14 =	simm.s32 $0x0;
	[tilespmem:v9+s0+$0x0] =	vst.idx.add.f32.msk $0xffff, v16  }
.LBB2_5:
0x6c: {  	s16 =	sand.u32 $0xFC0, s15;
	v13 =	vmul.f32 v13, v2;
	v10 =	vld.idx.msk [tilespmem:v10+s26+$0x0], $0xffff  }
0x6d: {  	v16 =	vld [tilespmem:s16+$0x1A000]  }
0x6e: {  	[tilespmem:v1+s0+$0x0] =	vst.idx.add.f32.msk $0xffff, v13  }
0x6f: {  	v13 =	vmul.f32 v14, v4;
	v11 =	vld.idx.msk [tilespmem:v11+s26+$0x0], $0xffff  }
0x70: {  	v15 =	vmul.f32 v15, v3;
	v14 =	vld [tilespmem:s16+$0x19000]  }
0x71: {  	[tilespmem:v5+s0+$0x0] =	vst.idx.add.f32.msk $0xffff, v13  }
0x72: {  	v10 =	vmul.f32 v10, v12;
	[tilespmem:v6+s0+$0x0] =	vst.idx.add.f32.msk $0xffff, v15  }
0x73: {  	v12 =	vld.idx.msk [tilespmem:v8+s26+$0x0], $0xffff  }
0x74: {  	s13 =	sadd.s32 $0x40, s13;
	[tilespmem:v9+s1+$0x0] =	vst.idx.add.f32.msk $0xffff, v10  }
0x75: {  	s14 =	sadd.s32 $0x4, s14;
	v13 =	vmul.f32 v11, v2;
	v2 =	vmov v16;
	v10 =	vld [tilespmem:s13+$0xFFFFF010]  }
0x76: {  	p0 =	slt.u32 s14, $0xFC;
	v8 =	vld [tilespmem:s13+$0xFFFFEFF0]  }
0x77: {  	v15 =	vld [tilespmem:s13+$0xFFFFF000]  }
0x78: {  	v11 =	vld [tilespmem:s13+$0xFFFFEFE0]  }
0x79: {  	v16 =	vmul.f32 v12, v4;
	v4 =	vld [tilespmem:s13+$0xFF0]  }
0x7a: {  	v17 =	vld [tilespmem:s13+$0x1000]  }
0x7b: {  	v18 =	vld [tilespmem:s13+$0xFFFFFFF0]  }
0x7c: {  	v9 =	vld [tilespmem:s13+$0x10]  }
0x7d: {  	v19 =	vld.idx.msk [tilespmem:v10+s2+$0x0], $0xffff  }
0x7e: {  	v12 =	vld [tilespmem:s13+$0x1010]  }
0x7f: {  	v20 =	vld.idx.msk [tilespmem:v8+s2+$0x0], $0xffff  }
0x80: {  	v21 =	vld.idx.msk [tilespmem:v11+s2+$0x0], $0xffff  }
0x81: {  	v22 =	vld.idx.msk [tilespmem:v15+s2+$0x0], $0xffff  }
0x82: {  	v23 =	vld [tilespmem:s13+$0x0]  }
0x83: {  	v19 =	vmul.f32 v19, v12;
	v24 =	vld.idx.msk [tilespmem:v7+s26+$0x0], $0xffff;
	v7 =	vmov v15  }
0x84: {  	[tilespmem:v1+s1+$0x0] =	vst.idx.add.f32.msk $0xffff, v13;
	v1 =	vmov v14  }
0x85: {  	v13 =	vmul.f32 v20, v4;
	[tilespmem:v9+s30+$0x0] =	vst.idx.add.f32.msk $0xffff, v19  }
0x86: {  	v15 =	vmul.f32 v21, v2;
	v19 =	vld.idx.msk [tilespmem:v10+s24+$0x0], $0xffff  }
0x87: {  	[tilespmem:v18+s30+$0x0] =	vst.idx.add.f32.msk $0xffff, v13;
	v13 =	vmul.f32 v22, v17  }
0x88: {  	[tilespmem:v14+s30+$0x0] =	vst.idx.add.f32.msk $0xffff, v15  }
0x89: {  	v15 =	vmul.f32 v24, v3;
	v3 =	vmov v17;
	v14 =	vld.idx.msk [tilespmem:v11+s24+$0x0], $0xffff  }
0x8a: {  	[tilespmem:v23+s30+$0x0] =	vst.idx.add.f32.msk $0xffff, v13  }
0x8b: {  	v13 =	vld.idx.msk [tilespmem:v8+s24+$0x0], $0xffff  }
0x8c: {  	v19 =	vmul.f32 v19, v12;
	v17 =	vld.idx.msk [tilespmem:v7+s24+$0x0], $0xffff  }
0x8d: {  	[tilespmem:v5+s1+$0x0] =	vst.idx.add.f32.msk $0xffff, v16;
	v5 =	vmov v18  }
0x8e: {  	[tilespmem:v9+s31+$0x0] =	vst.idx.add.f32.msk $0xffff, v19  }
0x8f: {  	v14 =	vmul.f32 v14, v2;
	v16 =	vld.idx.msk [tilespmem:v10+s25+$0x0], $0xffff  }
0x90: {  	[tilespmem:v6+s1+$0x0] =	vst.idx.add.f32.msk $0xffff, v15;
	v6 =	vmov v23  }
0x91: {  	[tilespmem:v1+s31+$0x0] =	vst.idx.add.f32.msk $0xffff, v14;
	v14 =	vmul.f32 v13, v4  }
0x92: {  	v15 =	vmul.f32 v17, v3;
	v13 =	vld.idx.msk [tilespmem:v11+s25+$0x0], $0xffff  }
.Ltmp1:
0x93: {  	[tilespmem:v18+s31+$0x0] =	vst.idx.add.f32.msk $0xffff, v14;
	(pc) =	sbr.rel @p0 .LBB2_5-.Ltmp1, $4  }
0x94: {  	[tilespmem:v23+s31+$0x0] =	vst.idx.add.f32.msk $0xffff, v15  }
0x95: {  	v16 =	vmul.f32 v16, v12;
	v14 =	vld.idx.msk [tilespmem:v8+s25+$0x0], $0xffff  }
0x96: {  	v15 =	vld.idx.msk [tilespmem:v7+s25+$0x0], $0xffff  }
0x97: {  	s15 =	sadd.s32 $0x40, s15;
	[tilespmem:v9+s0+$0x0] =	vst.idx.add.f32.msk $0xffff, v16  }
0x98: {  	_ =	sdelay $0x2  }
0x99: {  	v13 =	vmul.f32 v13, v2  }
0x9a: {  	v10 =	vld.idx.msk [tilespmem:v10+s26+$0x0], $0xffff  }
0x9b: {  	[tilespmem:v1+s0+$0x0] =	vst.idx.add.f32.msk $0xffff, v13;
	v13 =	vmul.f32 v14, v4  }
0x9c: {  	v11 =	vld.idx.msk [tilespmem:v11+s26+$0x0], $0xffff;
	v14 =	vmul.f32 v15, v3  }
0x9d: {  	[tilespmem:v5+s0+$0x0] =	vst.idx.add.f32.msk $0xffff, v13  }
0x9e: {  	[tilespmem:v6+s0+$0x0] =	vst.idx.add.f32.msk $0xffff, v14  }
0x9f: {  	v8 =	vld.idx.msk [tilespmem:v8+s26+$0x0], $0xffff  }
0xa0: {  	v7 =	vld.idx.msk [tilespmem:v7+s26+$0x0], $0xffff;
	_ =	sdelay $0x1  }
0xa1: {  	v10 =	vmul.f32 v10, v12  }
0xa2: {  	s13 =	smul.u32 $0x6000, s12;
	v2 =	vmul.f32 v11, v2  }
0xa3: {  	[tilespmem:v9+s1+$0x0] =	vst.idx.add.f32.msk $0xffff, v10;
	v4 =	vmul.f32 v8, v4  }
0xa4: {  	s13 =	sshrl.u32 s13, $0x3;
	[tilespmem:v1+s1+$0x0] =	vst.idx.add.f32.msk $0xffff, v2;
	v1 =	vmul.f32 v7, v3  }
0xa5: {  	s13 =	sadd.s32 s3, s13;
	[tilespmem:v5+s1+$0x0] =	vst.idx.add.f32.msk $0xffff, v4  }
0xa6: {  	s15 =	simm.s32 $0x0;
	s14 =	sadd.s32 $0xC00, s13;
	[tilespmem:v6+s1+$0x0] =	vst.idx.add.f32.msk $0xffff, v1  }
0xa7: {  	[tilespmem:s22], [sflag:$0x1] =	stream.linear.gather [hbm4b:s14+s15], $0x3000, $0x38;
	[tilespmem:$0x1E000] =	vst v63  }
0xa8: {  	_ =	swait.ge [sflag:s29], $0x3000  }
0xa9: {  	[sflag:s29] =	ssyncset.done $0x0  }
0xaa: {  	s15 =	sand.u32 $0xFC0, s15;
	[sflag:s29] =	ssyncadd.s32 $0xFFFFD000  }
0xab: {  	s14 =	simm.s32 $0x1C020;
	v2 =	vld [tilespmem:s15+$0x1D000]  }
0xac: {  	v10 =	vld [tilespmem:s14+$0xFFFFF010]  }
0xad: {  	v1 =	vld [tilespmem:s15+$0x1C000]  }
0xae: {  	v8 =	vld [tilespmem:s14+$0xFFFFEFF0]  }
0xaf: {  	v6 =	vld [tilespmem:s14+$0xFFFFF000]  }
0xb0: {  	v11 =	vld [tilespmem:s14+$0xFFFFEFE0]  }
0xb1: {  	v4 =	vld [tilespmem:s14+$0xFF0]  }
0xb2: {  	v3 =	vld [tilespmem:s14+$0x1000]  }
0xb3: {  	v9 =	vld [tilespmem:s14+$0x10]  }
0xb4: {  	v12 =	vld [tilespmem:s14+$0x1010]  }
0xb5: {  	v5 =	vld [tilespmem:s14+$0xFFFFFFF0]  }
0xb6: {  	v13 =	vld.idx.msk [tilespmem:v10+s2+$0x0], $0xffff  }
0xb7: {  	v14 =	vld.idx.msk [tilespmem:v8+s2+$0x0], $0xffff  }
0xb8: {  	v7 =	vld [tilespmem:s14+$0x0]  }
0xb9: {  	v15 =	vld.idx.msk [tilespmem:v11+s2+$0x0], $0xffff  }
0xba: {  	v16 =	vld.idx.msk [tilespmem:v6+s2+$0x0], $0xffff  }
0xbb: {  	v13 =	vmul.f32 v13, v12  }
0xbc: {  	v14 =	vmul.f32 v14, v4  }
0xbd: {  	[tilespmem:v9+s30+$0x0] =	vst.idx.add.f32.msk $0xffff, v13  }
0xbe: {  	v13 =	vmul.f32 v15, v2;
	[tilespmem:v5+s30+$0x0] =	vst.idx.add.f32.msk $0xffff, v14  }
0xbf: {  	v14 =	vmul.f32 v16, v3;
	v15 =	vld.idx.msk [tilespmem:v10+s24+$0x0], $0xffff  }
0xc0: {  	[tilespmem:v1+s30+$0x0] =	vst.idx.add.f32.msk $0xffff, v13  }
0xc1: {  	[tilespmem:v7+s30+$0x0] =	vst.idx.add.f32.msk $0xffff, v14  }
0xc2: {  	v14 =	vld.idx.msk [tilespmem:v8+s24+$0x0], $0xffff  }
0xc3: {  	v13 =	vld.idx.msk [tilespmem:v11+s24+$0x0], $0xffff;
	_ =	sdelay $0x1  }
0xc4: {  	v16 =	vld.idx.msk [tilespmem:v6+s24+$0x0], $0xffff;
	v15 =	vmul.f32 v15, v12;
	_ =	sdelay $0x1  }
0xc5: {  	v14 =	vmul.f32 v14, v4;
	[tilespmem:v9+s31+$0x0] =	vst.idx.add.f32.msk $0xffff, v15  }
0xc6: {  	v13 =	vmul.f32 v13, v2;
	v15 =	vld.idx.msk [tilespmem:v10+s25+$0x0], $0xffff  }
0xc7: {  	[tilespmem:v5+s31+$0x0] =	vst.idx.add.f32.msk $0xffff, v14  }
0xc8: {  	v16 =	vmul.f32 v16, v3;
	[tilespmem:v1+s31+$0x0] =	vst.idx.add.f32.msk $0xffff, v13  }
0xc9: {  	v13 =	vld.idx.msk [tilespmem:v11+s25+$0x0], $0xffff  }
0xca: {  	[tilespmem:v7+s31+$0x0] =	vst.idx.add.f32.msk $0xffff, v16  }
0xcb: {  	v14 =	vld.idx.msk [tilespmem:v8+s25+$0x0], $0xffff;
	v16 =	vmul.f32 v15, v12  }
0xcc: {  	v15 =	vld.idx.msk [tilespmem:v6+s25+$0x0], $0xffff  }
0xcd: {  	s16 =	simm.s32 $0x40;
	s15 =	simm.s32 $0x0;
	[tilespmem:v9+s0+$0x0] =	vst.idx.add.f32.msk $0xffff, v16  }
.LBB2_7:
0xce: {  	s17 =	sand.u32 $0xFC0, s16;
	v13 =	vmul.f32 v13, v2;
	v10 =	vld.idx.msk [tilespmem:v10+s26+$0x0], $0xffff  }
0xcf: {  	v16 =	vld [tilespmem:s17+$0x1D000]  }
0xd0: {  	[tilespmem:v1+s0+$0x0] =	vst.idx.add.f32.msk $0xffff, v13  }
0xd1: {  	v13 =	vmul.f32 v14, v4;
	v11 =	vld.idx.msk [tilespmem:v11+s26+$0x0], $0xffff  }
0xd2: {  	v15 =	vmul.f32 v15, v3;
	v14 =	vld [tilespmem:s17+$0x1C000]  }
0xd3: {  	[tilespmem:v5+s0+$0x0] =	vst.idx.add.f32.msk $0xffff, v13  }
0xd4: {  	v10 =	vmul.f32 v10, v12;
	[tilespmem:v7+s0+$0x0] =	vst.idx.add.f32.msk $0xffff, v15  }
0xd5: {  	v12 =	vld.idx.msk [tilespmem:v8+s26+$0x0], $0xffff  }
0xd6: {  	s14 =	sadd.s32 $0x40, s14;
	[tilespmem:v9+s1+$0x0] =	vst.idx.add.f32.msk $0xffff, v10  }
0xd7: {  	s15 =	sadd.s32 $0x4, s15;
	v13 =	vmul.f32 v11, v2;
	v2 =	vmov v16;
	v10 =	vld [tilespmem:s14+$0xFFFFF010]  }
0xd8: {  	p0 =	slt.u32 s15, $0xFC;
	v8 =	vld [tilespmem:s14+$0xFFFFEFF0]  }
0xd9: {  	v15 =	vld [tilespmem:s14+$0xFFFFF000]  }
0xda: {  	v11 =	vld [tilespmem:s14+$0xFFFFEFE0]  }
0xdb: {  	v16 =	vmul.f32 v12, v4;
	v4 =	vld [tilespmem:s14+$0xFF0]  }
0xdc: {  	v17 =	vld [tilespmem:s14+$0x1000]  }
0xdd: {  	v18 =	vld [tilespmem:s14+$0xFFFFFFF0]  }
0xde: {  	v9 =	vld [tilespmem:s14+$0x10]  }
0xdf: {  	v19 =	vld.idx.msk [tilespmem:v10+s2+$0x0], $0xffff  }
0xe0: {  	v12 =	vld [tilespmem:s14+$0x1010]  }
0xe1: {  	v20 =	vld.idx.msk [tilespmem:v8+s2+$0x0], $0xffff  }
0xe2: {  	v21 =	vld.idx.msk [tilespmem:v11+s2+$0x0], $0xffff  }
0xe3: {  	v22 =	vld.idx.msk [tilespmem:v15+s2+$0x0], $0xffff  }
0xe4: {  	v23 =	vld [tilespmem:s14+$0x0]  }
0xe5: {  	v19 =	vmul.f32 v19, v12;
	v24 =	vld.idx.msk [tilespmem:v6+s26+$0x0], $0xffff;
	v6 =	vmov v15  }
0xe6: {  	[tilespmem:v1+s1+$0x0] =	vst.idx.add.f32.msk $0xffff, v13;
	v1 =	vmov v14  }
0xe7: {  	v13 =	vmul.f32 v20, v4;
	[tilespmem:v9+s30+$0x0] =	vst.idx.add.f32.msk $0xffff, v19  }
0xe8: {  	v15 =	vmul.f32 v21, v2;
	v19 =	vld.idx.msk [tilespmem:v10+s24+$0x0], $0xffff  }
0xe9: {  	[tilespmem:v18+s30+$0x0] =	vst.idx.add.f32.msk $0xffff, v13;
	v13 =	vmul.f32 v22, v17  }
0xea: {  	[tilespmem:v14+s30+$0x0] =	vst.idx.add.f32.msk $0xffff, v15  }
0xeb: {  	v15 =	vmul.f32 v24, v3;
	v3 =	vmov v17;
	v14 =	vld.idx.msk [tilespmem:v11+s24+$0x0], $0xffff  }
0xec: {  	[tilespmem:v23+s30+$0x0] =	vst.idx.add.f32.msk $0xffff, v13  }
0xed: {  	v13 =	vld.idx.msk [tilespmem:v8+s24+$0x0], $0xffff  }
0xee: {  	v19 =	vmul.f32 v19, v12;
	v17 =	vld.idx.msk [tilespmem:v6+s24+$0x0], $0xffff  }
0xef: {  	[tilespmem:v5+s1+$0x0] =	vst.idx.add.f32.msk $0xffff, v16;
	v5 =	vmov v18  }
0xf0: {  	[tilespmem:v9+s31+$0x0] =	vst.idx.add.f32.msk $0xffff, v19  }
0xf1: {  	v14 =	vmul.f32 v14, v2;
	v16 =	vld.idx.msk [tilespmem:v10+s25+$0x0], $0xffff  }
0xf2: {  	[tilespmem:v7+s1+$0x0] =	vst.idx.add.f32.msk $0xffff, v15;
	v7 =	vmov v23  }
0xf3: {  	[tilespmem:v1+s31+$0x0] =	vst.idx.add.f32.msk $0xffff, v14;
	v14 =	vmul.f32 v13, v4  }
0xf4: {  	v15 =	vmul.f32 v17, v3;
	v13 =	vld.idx.msk [tilespmem:v11+s25+$0x0], $0xffff  }
.Ltmp2:
0xf5: {  	[tilespmem:v18+s31+$0x0] =	vst.idx.add.f32.msk $0xffff, v14;
	(pc) =	sbr.rel @p0 .LBB2_7-.Ltmp2, $4  }
0xf6: {  	[tilespmem:v23+s31+$0x0] =	vst.idx.add.f32.msk $0xffff, v15  }
0xf7: {  	v16 =	vmul.f32 v16, v12;
	v14 =	vld.idx.msk [tilespmem:v8+s25+$0x0], $0xffff  }
0xf8: {  	v15 =	vld.idx.msk [tilespmem:v6+s25+$0x0], $0xffff  }
0xf9: {  	s16 =	sadd.s32 $0x40, s16;
	[tilespmem:v9+s0+$0x0] =	vst.idx.add.f32.msk $0xffff, v16  }
0xfa: {  	_ =	sdelay $0x2  }
0xfb: {  	v13 =	vmul.f32 v13, v2  }
0xfc: {  	v10 =	vld.idx.msk [tilespmem:v10+s26+$0x0], $0xffff  }
0xfd: {  	[tilespmem:v1+s0+$0x0] =	vst.idx.add.f32.msk $0xffff, v13;
	v61 =	vmul.f32 v14, v4  }
0xfe: {  	v11 =	vld.idx.msk [tilespmem:v11+s26+$0x0], $0xffff;
	v62 =	vmul.f32 v15, v3  }
0xff: {  	[tilespmem:v5+s0+$0x0] =	vst.idx.add.f32.msk $0xffff, v61  }
0x100: {  	[tilespmem:v7+s0+$0x0] =	vst.idx.add.f32.msk $0xffff, v62  }
0x101: {  	v8 =	vld.idx.msk [tilespmem:v8+s26+$0x0], $0xffff  }
0x102: {  	v6 =	vld.idx.msk [tilespmem:v6+s26+$0x0], $0xffff;
	_ =	sdelay $0x1  }
0x103: {  	s12 =	sadd.s32 $0x1, s12;
	v10 =	vmul.f32 v10, v12  }
0x104: {  	p0 =	sne.s32 s12, $0xF;
	v2 =	vmul.f32 v11, v2  }
.Ltmp3:
0x105: {  	[tilespmem:v9+s1+$0x0] =	vst.idx.add.f32.msk $0xffff, v10;
	v63 =	vmul.f32 v8, v4;
	(pc) =	sbr.rel @p0 .LBB2_4-.Ltmp3, $4  }
0x106: {  	[tilespmem:v1+s1+$0x0] =	vst.idx.add.f32.msk $0xffff, v2;
	v1 =	vmul.f32 v6, v3  }
0x107: {  	[tilespmem:v5+s1+$0x0] =	vst.idx.add.f32.msk $0xffff, v63  }
0x108: {  	s13 =	sadd.s32 $0x1200, s13;
	[tilespmem:v7+s1+$0x0] =	vst.idx.add.f32.msk $0xffff, v1  }
0x109: {  	[tilespmem:s23], [sflag:$0x1] =	stream.linear.gather [hbm4b:s13+s2], $0x3000, $0x38;
	[tilespmem:$0x1E000] =	vst v63  }
0x10a: {  	_ =	swait.ge [sflag:s29], $0x3000  }
0x10b: {  	s11 =	simm.s32 $0x0;
	[sflag:s29] =	ssyncset.done $0x0  }
0x10c: {  	s12 =	sand.u32 $0xFC0, s11;
	[sflag:s29] =	ssyncadd.s32 $0xFFFFD000  }
0x10d: {  	s11 =	simm.s32 $0x19020;
	v2 =	vld [tilespmem:s12+$0x1A000]  }
0x10e: {  	v10 =	vld [tilespmem:s11+$0xFFFFF010]  }
0x10f: {  	v1 =	vld [tilespmem:s12+$0x19000]  }
0x110: {  	v8 =	vld [tilespmem:s11+$0xFFFFEFF0]  }
0x111: {  	v6 =	vld [tilespmem:s11+$0xFFFFF000]  }
0x112: {  	v11 =	vld [tilespmem:s11+$0xFFFFEFE0]  }
0x113: {  	v4 =	vld [tilespmem:s11+$0xFF0]  }
0x114: {  	v3 =	vld [tilespmem:s11+$0x1000]  }
0x115: {  	v9 =	vld [tilespmem:s11+$0x10]  }
0x116: {  	v12 =	vld [tilespmem:s11+$0x1010]  }
0x117: {  	v5 =	vld [tilespmem:s11+$0xFFFFFFF0]  }
0x118: {  	v13 =	vld.idx.msk [tilespmem:v10+s2+$0x0], $0xffff  }
0x119: {  	v14 =	vld.idx.msk [tilespmem:v8+s2+$0x0], $0xffff  }
0x11a: {  	v7 =	vld [tilespmem:s11+$0x0]  }
0x11b: {  	v15 =	vld.idx.msk [tilespmem:v11+s2+$0x0], $0xffff  }
0x11c: {  	v16 =	vld.idx.msk [tilespmem:v6+s2+$0x0], $0xffff  }
0x11d: {  	v13 =	vmul.f32 v13, v12  }
0x11e: {  	v14 =	vmul.f32 v14, v4  }
0x11f: {  	[tilespmem:v9+s30+$0x0] =	vst.idx.add.f32.msk $0xffff, v13  }
0x120: {  	v13 =	vmul.f32 v15, v2;
	[tilespmem:v5+s30+$0x0] =	vst.idx.add.f32.msk $0xffff, v14  }
0x121: {  	v14 =	vmul.f32 v16, v3;
	v15 =	vld.idx.msk [tilespmem:v10+s24+$0x0], $0xffff  }
0x122: {  	[tilespmem:v1+s30+$0x0] =	vst.idx.add.f32.msk $0xffff, v13  }
0x123: {  	[tilespmem:v7+s30+$0x0] =	vst.idx.add.f32.msk $0xffff, v14  }
0x124: {  	v14 =	vld.idx.msk [tilespmem:v8+s24+$0x0], $0xffff  }
0x125: {  	v13 =	vld.idx.msk [tilespmem:v11+s24+$0x0], $0xffff;
	_ =	sdelay $0x1  }
0x126: {  	v16 =	vld.idx.msk [tilespmem:v6+s24+$0x0], $0xffff;
	v15 =	vmul.f32 v15, v12;
	_ =	sdelay $0x1  }
0x127: {  	v14 =	vmul.f32 v14, v4;
	[tilespmem:v9+s31+$0x0] =	vst.idx.add.f32.msk $0xffff, v15  }
0x128: {  	v13 =	vmul.f32 v13, v2;
	v15 =	vld.idx.msk [tilespmem:v10+s25+$0x0], $0xffff  }
0x129: {  	[tilespmem:v5+s31+$0x0] =	vst.idx.add.f32.msk $0xffff, v14  }
0x12a: {  	v16 =	vmul.f32 v16, v3;
	[tilespmem:v1+s31+$0x0] =	vst.idx.add.f32.msk $0xffff, v13  }
0x12b: {  	v13 =	vld.idx.msk [tilespmem:v11+s25+$0x0], $0xffff  }
0x12c: {  	[tilespmem:v7+s31+$0x0] =	vst.idx.add.f32.msk $0xffff, v16  }
0x12d: {  	v14 =	vld.idx.msk [tilespmem:v8+s25+$0x0], $0xffff;
	v16 =	vmul.f32 v15, v12  }
0x12e: {  	v15 =	vld.idx.msk [tilespmem:v6+s25+$0x0], $0xffff  }
0x12f: {  	s13 =	simm.s32 $0x40;
	s12 =	simm.s32 $0x0;
	[tilespmem:v9+s0+$0x0] =	vst.idx.add.f32.msk $0xffff, v16  }
.LBB2_10:
0x130: {  	s14 =	sand.u32 $0xFC0, s13;
	v13 =	vmul.f32 v13, v2;
	v10 =	vld.idx.msk [tilespmem:v10+s26+$0x0], $0xffff  }
0x131: {  	v16 =	vld [tilespmem:s14+$0x1A000]  }
0x132: {  	[tilespmem:v1+s0+$0x0] =	vst.idx.add.f32.msk $0xffff, v13  }
0x133: {  	v13 =	vmul.f32 v14, v4;
	v11 =	vld.idx.msk [tilespmem:v11+s26+$0x0], $0xffff  }
0x134: {  	v15 =	vmul.f32 v15, v3;
	v14 =	vld [tilespmem:s14+$0x19000]  }
0x135: {  	[tilespmem:v5+s0+$0x0] =	vst.idx.add.f32.msk $0xffff, v13  }
0x136: {  	v10 =	vmul.f32 v10, v12;
	[tilespmem:v7+s0+$0x0] =	vst.idx.add.f32.msk $0xffff, v15  }
0x137: {  	v12 =	vld.idx.msk [tilespmem:v8+s26+$0x0], $0xffff  }
0x138: {  	s11 =	sadd.s32 $0x40, s11;
	[tilespmem:v9+s1+$0x0] =	vst.idx.add.f32.msk $0xffff, v10  }
0x139: {  	s12 =	sadd.s32 $0x4, s12;
	v13 =	vmul.f32 v11, v2;
	v2 =	vmov v16;
	v10 =	vld [tilespmem:s11+$0xFFFFF010]  }
0x13a: {  	p0 =	slt.u32 s12, $0xFC;
	v8 =	vld [tilespmem:s11+$0xFFFFEFF0]  }
0x13b: {  	v15 =	vld [tilespmem:s11+$0xFFFFF000]  }
0x13c: {  	v11 =	vld [tilespmem:s11+$0xFFFFEFE0]  }
0x13d: {  	v16 =	vmul.f32 v12, v4;
	v4 =	vld [tilespmem:s11+$0xFF0]  }
0x13e: {  	v17 =	vld [tilespmem:s11+$0x1000]  }
0x13f: {  	v18 =	vld [tilespmem:s11+$0xFFFFFFF0]  }
0x140: {  	v9 =	vld [tilespmem:s11+$0x10]  }
0x141: {  	v19 =	vld.idx.msk [tilespmem:v10+s2+$0x0], $0xffff  }
0x142: {  	v12 =	vld [tilespmem:s11+$0x1010]  }
0x143: {  	v20 =	vld.idx.msk [tilespmem:v8+s2+$0x0], $0xffff  }
0x144: {  	v21 =	vld.idx.msk [tilespmem:v11+s2+$0x0], $0xffff  }
0x145: {  	v22 =	vld.idx.msk [tilespmem:v15+s2+$0x0], $0xffff  }
0x146: {  	v23 =	vld [tilespmem:s11+$0x0]  }
0x147: {  	v19 =	vmul.f32 v19, v12;
	v24 =	vld.idx.msk [tilespmem:v6+s26+$0x0], $0xffff;
	v6 =	vmov v15  }
0x148: {  	[tilespmem:v1+s1+$0x0] =	vst.idx.add.f32.msk $0xffff, v13;
	v1 =	vmov v14  }
0x149: {  	v13 =	vmul.f32 v20, v4;
	[tilespmem:v9+s30+$0x0] =	vst.idx.add.f32.msk $0xffff, v19  }
0x14a: {  	v15 =	vmul.f32 v21, v2;
	v19 =	vld.idx.msk [tilespmem:v10+s24+$0x0], $0xffff  }
0x14b: {  	[tilespmem:v18+s30+$0x0] =	vst.idx.add.f32.msk $0xffff, v13;
	v13 =	vmul.f32 v22, v17  }
0x14c: {  	[tilespmem:v14+s30+$0x0] =	vst.idx.add.f32.msk $0xffff, v15  }
0x14d: {  	v15 =	vmul.f32 v24, v3;
	v3 =	vmov v17;
	v14 =	vld.idx.msk [tilespmem:v11+s24+$0x0], $0xffff  }
0x14e: {  	[tilespmem:v23+s30+$0x0] =	vst.idx.add.f32.msk $0xffff, v13  }
0x14f: {  	v13 =	vld.idx.msk [tilespmem:v8+s24+$0x0], $0xffff  }
0x150: {  	v19 =	vmul.f32 v19, v12;
	v17 =	vld.idx.msk [tilespmem:v6+s24+$0x0], $0xffff  }
0x151: {  	[tilespmem:v5+s1+$0x0] =	vst.idx.add.f32.msk $0xffff, v16;
	v5 =	vmov v18  }
0x152: {  	[tilespmem:v9+s31+$0x0] =	vst.idx.add.f32.msk $0xffff, v19  }
0x153: {  	v14 =	vmul.f32 v14, v2;
	v16 =	vld.idx.msk [tilespmem:v10+s25+$0x0], $0xffff  }
0x154: {  	[tilespmem:v7+s1+$0x0] =	vst.idx.add.f32.msk $0xffff, v15;
	v7 =	vmov v23  }
0x155: {  	[tilespmem:v1+s31+$0x0] =	vst.idx.add.f32.msk $0xffff, v14;
	v14 =	vmul.f32 v13, v4  }
0x156: {  	v15 =	vmul.f32 v17, v3;
	v13 =	vld.idx.msk [tilespmem:v11+s25+$0x0], $0xffff  }
.Ltmp4:
0x157: {  	[tilespmem:v18+s31+$0x0] =	vst.idx.add.f32.msk $0xffff, v14;
	(pc) =	sbr.rel @p0 .LBB2_10-.Ltmp4, $4  }
0x158: {  	[tilespmem:v23+s31+$0x0] =	vst.idx.add.f32.msk $0xffff, v15  }
0x159: {  	v16 =	vmul.f32 v16, v12;
	v14 =	vld.idx.msk [tilespmem:v8+s25+$0x0], $0xffff  }
0x15a: {  	v15 =	vld.idx.msk [tilespmem:v6+s25+$0x0], $0xffff  }
0x15b: {  	s13 =	sadd.s32 $0x40, s13;
	[tilespmem:v9+s0+$0x0] =	vst.idx.add.f32.msk $0xffff, v16  }
0x15c: {  	_ =	sdelay $0x2  }
0x15d: {  	v13 =	vmul.f32 v13, v2  }
0x15e: {  	v10 =	vld.idx.msk [tilespmem:v10+s26+$0x0], $0xffff  }
0x15f: {  	[tilespmem:v1+s0+$0x0] =	vst.idx.add.f32.msk $0xffff, v13;
	v13 =	vmul.f32 v14, v4  }
0x160: {  	v11 =	vld.idx.msk [tilespmem:v11+s26+$0x0], $0xffff;
	v14 =	vmul.f32 v15, v3  }
0x161: {  	[tilespmem:v5+s0+$0x0] =	vst.idx.add.f32.msk $0xffff, v13  }
0x162: {  	[tilespmem:v7+s0+$0x0] =	vst.idx.add.f32.msk $0xffff, v14  }
0x163: {  	v8 =	vld.idx.msk [tilespmem:v8+s26+$0x0], $0xffff  }
0x164: {  	v6 =	vld.idx.msk [tilespmem:v6+s26+$0x0], $0xffff;
	_ =	sdelay $0x1  }
0x165: {  	v10 =	vmul.f32 v10, v12  }
0x166: {  	v2 =	vmul.f32 v11, v2  }
0x167: {  	[tilespmem:v9+s1+$0x0] =	vst.idx.add.f32.msk $0xffff, v10;
	v4 =	vmul.f32 v8, v4  }
0x168: {  	[tilespmem:v1+s1+$0x0] =	vst.idx.add.f32.msk $0xffff, v2;
	v1 =	vmul.f32 v6, v3  }
0x169: {  	[tilespmem:v5+s1+$0x0] =	vst.idx.add.f32.msk $0xffff, v4  }
0x16a: {  	[tilespmem:v7+s1+$0x0] =	vst.idx.add.f32.msk $0xffff, v1  }
0x16b: {  	_ =	swait.ge [sflag:s29], $0x3000  }
0x16c: {  	s11 =	simm.s32 $0x0;
	[sflag:s29] =	ssyncset.done $0x0  }
0x16d: {  	s12 =	sand.u32 $0xFC0, s11;
	[sflag:s29] =	ssyncadd.s32 $0xFFFFD000  }
0x16e: {  	s11 =	simm.s32 $0x1C020;
	v2 =	vld [tilespmem:s12+$0x1D000]  }
0x16f: {  	v10 =	vld [tilespmem:s11+$0xFFFFF010]  }
0x170: {  	v1 =	vld [tilespmem:s12+$0x1C000]  }
0x171: {  	v8 =	vld [tilespmem:s11+$0xFFFFEFF0]  }
0x172: {  	v6 =	vld [tilespmem:s11+$0xFFFFF000]  }
0x173: {  	v11 =	vld [tilespmem:s11+$0xFFFFEFE0]  }
0x174: {  	v4 =	vld [tilespmem:s11+$0xFF0]  }
0x175: {  	v3 =	vld [tilespmem:s11+$0x1000]  }
0x176: {  	v9 =	vld [tilespmem:s11+$0x10]  }
0x177: {  	v12 =	vld [tilespmem:s11+$0x1010]  }
0x178: {  	v5 =	vld [tilespmem:s11+$0xFFFFFFF0]  }
0x179: {  	v13 =	vld.idx.msk [tilespmem:v10+s2+$0x0], $0xffff  }
0x17a: {  	v14 =	vld.idx.msk [tilespmem:v8+s2+$0x0], $0xffff  }
0x17b: {  	v7 =	vld [tilespmem:s11+$0x0]  }
0x17c: {  	v15 =	vld.idx.msk [tilespmem:v11+s2+$0x0], $0xffff  }
0x17d: {  	v16 =	vld.idx.msk [tilespmem:v6+s2+$0x0], $0xffff  }
0x17e: {  	v13 =	vmul.f32 v13, v12  }
0x17f: {  	v14 =	vmul.f32 v14, v4  }
0x180: {  	[tilespmem:v9+s30+$0x0] =	vst.idx.add.f32.msk $0xffff, v13  }
0x181: {  	v13 =	vmul.f32 v15, v2;
	[tilespmem:v5+s30+$0x0] =	vst.idx.add.f32.msk $0xffff, v14  }
0x182: {  	v14 =	vmul.f32 v16, v3;
	v15 =	vld.idx.msk [tilespmem:v10+s24+$0x0], $0xffff  }
0x183: {  	[tilespmem:v1+s30+$0x0] =	vst.idx.add.f32.msk $0xffff, v13  }
0x184: {  	[tilespmem:v7+s30+$0x0] =	vst.idx.add.f32.msk $0xffff, v14  }
0x185: {  	v14 =	vld.idx.msk [tilespmem:v8+s24+$0x0], $0xffff  }
0x186: {  	v13 =	vld.idx.msk [tilespmem:v11+s24+$0x0], $0xffff;
	_ =	sdelay $0x1  }
0x187: {  	v16 =	vld.idx.msk [tilespmem:v6+s24+$0x0], $0xffff;
	v15 =	vmul.f32 v15, v12;
	_ =	sdelay $0x1  }
0x188: {  	v14 =	vmul.f32 v14, v4;
	[tilespmem:v9+s31+$0x0] =	vst.idx.add.f32.msk $0xffff, v15  }
0x189: {  	v13 =	vmul.f32 v13, v2;
	v15 =	vld.idx.msk [tilespmem:v10+s25+$0x0], $0xffff  }
0x18a: {  	[tilespmem:v5+s31+$0x0] =	vst.idx.add.f32.msk $0xffff, v14  }
0x18b: {  	v16 =	vmul.f32 v16, v3;
	[tilespmem:v1+s31+$0x0] =	vst.idx.add.f32.msk $0xffff, v13  }
0x18c: {  	v13 =	vld.idx.msk [tilespmem:v11+s25+$0x0], $0xffff  }
0x18d: {  	[tilespmem:v7+s31+$0x0] =	vst.idx.add.f32.msk $0xffff, v16  }
0x18e: {  	v14 =	vld.idx.msk [tilespmem:v8+s25+$0x0], $0xffff;
	v16 =	vmul.f32 v15, v12  }
0x18f: {  	v15 =	vld.idx.msk [tilespmem:v6+s25+$0x0], $0xffff  }
0x190: {  	s13 =	simm.s32 $0x40;
	s12 =	simm.s32 $0x0;
	[tilespmem:v9+s0+$0x0] =	vst.idx.add.f32.msk $0xffff, v16  }
.LBB2_12:
0x191: {  	s14 =	sand.u32 $0xFC0, s13;
	v13 =	vmul.f32 v13, v2;
	v10 =	vld.idx.msk [tilespmem:v10+s26+$0x0], $0xffff  }
0x192: {  	v16 =	vld [tilespmem:s14+$0x1D000]  }
0x193: {  	[tilespmem:v1+s0+$0x0] =	vst.idx.add.f32.msk $0xffff, v13  }
0x194: {  	v13 =	vmul.f32 v14, v4;
	v11 =	vld.idx.msk [tilespmem:v11+s26+$0x0], $0xffff  }
0x195: {  	v15 =	vmul.f32 v15, v3;
	v14 =	vld [tilespmem:s14+$0x1C000]  }
0x196: {  	[tilespmem:v5+s0+$0x0] =	vst.idx.add.f32.msk $0xffff, v13  }
0x197: {  	v10 =	vmul.f32 v10, v12;
	[tilespmem:v7+s0+$0x0] =	vst.idx.add.f32.msk $0xffff, v15  }
0x198: {  	v12 =	vld.idx.msk [tilespmem:v8+s26+$0x0], $0xffff  }
0x199: {  	s11 =	sadd.s32 $0x40, s11;
	[tilespmem:v9+s1+$0x0] =	vst.idx.add.f32.msk $0xffff, v10  }
0x19a: {  	s12 =	sadd.s32 $0x4, s12;
	v13 =	vmul.f32 v11, v2;
	v2 =	vmov v16;
	v10 =	vld [tilespmem:s11+$0xFFFFF010]  }
0x19b: {  	p0 =	slt.u32 s12, $0xFC;
	v8 =	vld [tilespmem:s11+$0xFFFFEFF0]  }
0x19c: {  	v15 =	vld [tilespmem:s11+$0xFFFFF000]  }
0x19d: {  	v11 =	vld [tilespmem:s11+$0xFFFFEFE0]  }
0x19e: {  	v16 =	vmul.f32 v12, v4;
	v4 =	vld [tilespmem:s11+$0xFF0]  }
0x19f: {  	v17 =	vld [tilespmem:s11+$0x1000]  }
0x1a0: {  	v18 =	vld [tilespmem:s11+$0xFFFFFFF0]  }
0x1a1: {  	v9 =	vld [tilespmem:s11+$0x10]  }
0x1a2: {  	v19 =	vld.idx.msk [tilespmem:v10+s2+$0x0], $0xffff  }
0x1a3: {  	v12 =	vld [tilespmem:s11+$0x1010]  }
0x1a4: {  	v20 =	vld.idx.msk [tilespmem:v8+s2+$0x0], $0xffff  }
0x1a5: {  	v21 =	vld.idx.msk [tilespmem:v11+s2+$0x0], $0xffff  }
0x1a6: {  	v22 =	vld.idx.msk [tilespmem:v15+s2+$0x0], $0xffff  }
0x1a7: {  	v23 =	vld [tilespmem:s11+$0x0]  }
0x1a8: {  	v19 =	vmul.f32 v19, v12;
	v24 =	vld.idx.msk [tilespmem:v6+s26+$0x0], $0xffff;
	v6 =	vmov v15  }
0x1a9: {  	[tilespmem:v1+s1+$0x0] =	vst.idx.add.f32.msk $0xffff, v13;
	v1 =	vmov v14  }
0x1aa: {  	v13 =	vmul.f32 v20, v4;
	[tilespmem:v9+s30+$0x0] =	vst.idx.add.f32.msk $0xffff, v19  }
0x1ab: {  	v15 =	vmul.f32 v21, v2;
	v19 =	vld.idx.msk [tilespmem:v10+s24+$0x0], $0xffff  }
0x1ac: {  	[tilespmem:v18+s30+$0x0] =	vst.idx.add.f32.msk $0xffff, v13;
	v13 =	vmul.f32 v22, v17  }
0x1ad: {  	[tilespmem:v14+s30+$0x0] =	vst.idx.add.f32.msk $0xffff, v15  }
0x1ae: {  	v15 =	vmul.f32 v24, v3;
	v3 =	vmov v17;
	v14 =	vld.idx.msk [tilespmem:v11+s24+$0x0], $0xffff  }
0x1af: {  	[tilespmem:v23+s30+$0x0] =	vst.idx.add.f32.msk $0xffff, v13  }
0x1b0: {  	v13 =	vld.idx.msk [tilespmem:v8+s24+$0x0], $0xffff  }
0x1b1: {  	v19 =	vmul.f32 v19, v12;
	v17 =	vld.idx.msk [tilespmem:v6+s24+$0x0], $0xffff  }
0x1b2: {  	[tilespmem:v5+s1+$0x0] =	vst.idx.add.f32.msk $0xffff, v16;
	v5 =	vmov v18  }
0x1b3: {  	[tilespmem:v9+s31+$0x0] =	vst.idx.add.f32.msk $0xffff, v19  }
0x1b4: {  	v14 =	vmul.f32 v14, v2;
	v16 =	vld.idx.msk [tilespmem:v10+s25+$0x0], $0xffff  }
0x1b5: {  	[tilespmem:v7+s1+$0x0] =	vst.idx.add.f32.msk $0xffff, v15;
	v7 =	vmov v23  }
0x1b6: {  	[tilespmem:v1+s31+$0x0] =	vst.idx.add.f32.msk $0xffff, v14;
	v14 =	vmul.f32 v13, v4  }
0x1b7: {  	v15 =	vmul.f32 v17, v3;
	v13 =	vld.idx.msk [tilespmem:v11+s25+$0x0], $0xffff  }
.Ltmp5:
0x1b8: {  	[tilespmem:v18+s31+$0x0] =	vst.idx.add.f32.msk $0xffff, v14;
	(pc) =	sbr.rel @p0 .LBB2_12-.Ltmp5, $4  }
0x1b9: {  	[tilespmem:v23+s31+$0x0] =	vst.idx.add.f32.msk $0xffff, v15  }
0x1ba: {  	v16 =	vmul.f32 v16, v12;
	v14 =	vld.idx.msk [tilespmem:v8+s25+$0x0], $0xffff  }
0x1bb: {  	v15 =	vld.idx.msk [tilespmem:v6+s25+$0x0], $0xffff  }
0x1bc: {  	s13 =	sadd.s32 $0x40, s13;
	[tilespmem:v9+s0+$0x0] =	vst.idx.add.f32.msk $0xffff, v16  }
0x1bd: {  	_ =	sdelay $0x2  }
0x1be: {  	v13 =	vmul.f32 v13, v2  }
0x1bf: {  	v10 =	vld.idx.msk [tilespmem:v10+s26+$0x0], $0xffff  }
0x1c0: {  	[tilespmem:v1+s0+$0x0] =	vst.idx.add.f32.msk $0xffff, v13;
	v61 =	vmul.f32 v14, v4  }
0x1c1: {  	v11 =	vld.idx.msk [tilespmem:v11+s26+$0x0], $0xffff;
	v62 =	vmul.f32 v15, v3  }
0x1c2: {  	[tilespmem:v5+s0+$0x0] =	vst.idx.add.f32.msk $0xffff, v61  }
0x1c3: {  	[tilespmem:v7+s0+$0x0] =	vst.idx.add.f32.msk $0xffff, v62  }
0x1c4: {  	v8 =	vld.idx.msk [tilespmem:v8+s26+$0x0], $0xffff  }
0x1c5: {  	v6 =	vld.idx.msk [tilespmem:v6+s26+$0x0], $0xffff;
	_ =	sdelay $0x1  }
0x1c6: {  	v10 =	vmul.f32 v10, v12  }
0x1c7: {  	v2 =	vmul.f32 v11, v2  }
0x1c8: {  	[tilespmem:v9+s1+$0x0] =	vst.idx.add.f32.msk $0xffff, v10;
	v63 =	vmul.f32 v8, v4  }
0x1c9: {  	[tilespmem:v1+s1+$0x0] =	vst.idx.add.f32.msk $0xffff, v2;
	v1 =	vmul.f32 v6, v3  }
0x1ca: {  	[tilespmem:v5+s1+$0x0] =	vst.idx.add.f32.msk $0xffff, v63  }
0x1cb: {  	[tilespmem:v7+s1+$0x0] =	vst.idx.add.f32.msk $0xffff, v1  }
0x1cc: {  	s11 =	simm.s32 $0x0;
	s12 =	rddreg [dreg:$0x7]  }
0x1cd: {  	[hbm4b:s12+s11] =	stream.linear.scatter [tilespmem:s30], [sflag:$0x3], $0x1000, $0x38;
	[tilespmem:$0x1E000] =	vst v63  }
0x1ce: {  	s16 =	rddreg [dreg:$0x8]  }
0x1cf: {  	[hbm4b:s16+s11] =	stream.linear.scatter [tilespmem:s31], [sflag:$0x3], $0x1000, $0x38;
	[tilespmem:$0x1E000] =	vst v63  }
0x1d0: {  	s17 =	rddreg [dreg:$0x9]  }
0x1d1: {  	[hbm4b:s17+s11] =	stream.linear.scatter [tilespmem:s0], [sflag:$0x3], $0x1000, $0x38;
	[tilespmem:$0x1E000] =	vst v63  }
0x1d2: {  	s13 =	rddreg [dreg:$0xa]  }
0x1d3: {  	[hbm4b:s13+s11] =	stream.linear.scatter [tilespmem:s1], [sflag:$0x3], $0x1000, $0x38;
	[tilespmem:$0x1E000] =	vst v63  }
0x1d4: {  	_ = 	snop  }
0x1d5: {  	[tilespmem:s22], [sflag:$0x1] =	stream.linear.gather [hbm4b:s3+s11], $0x3000, $0x38;
	[tilespmem:$0x1E000] =	vst v63  }
0x1d6: {  	_ = 	snop  }
0x1d7: {  	[tilespmem:s23], [sflag:$0x1] =	stream.linear.gather [hbm4b:s4+s11], $0x3000, $0x38;
	[tilespmem:$0x1E000] =	vst v63  }
0x1d8: {  	s14 =	rddreg [dreg:$0xb]  }
0x1d9: {  	[tilespmem:s11], [sflag:$0x2] =	stream.linear.gather [hbm4b:s14+s11], $0x4000, $0x38;
	[tilespmem:$0x1E000] =	vst v63  }
0x1da: {  	s15 =	rddreg [dreg:$0xc]  }
0x1db: {  	[tilespmem:s24], [sflag:$0x2] =	stream.linear.gather [hbm4b:s15+s11], $0x4000, $0x38;
	[tilespmem:$0x1E000] =	vst v63  }
0x1dc: {  	s16 =	rddreg [dreg:$0xd]  }
0x1dd: {  	[tilespmem:s25], [sflag:$0x2] =	stream.linear.gather [hbm4b:s16+s11], $0x4000, $0x38;
	[tilespmem:$0x1E000] =	vst v63  }
0x1de: {  	s17 =	rddreg [dreg:$0xe]  }
0x1df: {  	[tilespmem:s26], [sflag:$0x2] =	stream.linear.gather [hbm4b:s17+s11], $0x4000, $0x38;
	[tilespmem:$0x1E000] =	vst v63  }
0x1e0: {  	s12 =	simm.s32 $0x80;
	s11 =	simm.s32 $0x0  }
.LBB2_14:
0x1e1: {  	p0 =	sne.s32 s12, $0x3F80;
	[tilespmem:s11+$0x17010] =	vst v0  }
0x1e2: {  	[tilespmem:s11+$0x14000] =	vst v0  }
0x1e3: {  	[tilespmem:s11+$0x14010] =	vst v0  }
.Ltmp6:
0x1e4: {  	[tilespmem:s11+$0x15000] =	vst v0;
	(pc) =	sbr.rel @p0 .LBB2_14-.Ltmp6, $4  }
0x1e5: {  	[tilespmem:s11+$0x15010] =	vst v0  }
0x1e6: {  	[tilespmem:s11+$0x16000] =	vst v0  }
0x1e7: {  	[tilespmem:s11+$0x16010] =	vst v0  }
0x1e8: {  	[tilespmem:s11+$0x17000] =	vst v0;
	s11 =	sshra.s32 s12, $0x2;
	s12 =	sadd.s32 $0x80, s12  }
0x1e9: {  	[tilespmem:s11+$0x17010] =	vst v0  }
0x1ea: {  	[tilespmem:s11+$0x14000] =	vst v0  }
0x1eb: {  	[tilespmem:s11+$0x14010] =	vst v0  }
0x1ec: {  	[tilespmem:s11+$0x15000] =	vst v0  }
0x1ed: {  	[tilespmem:s11+$0x15010] =	vst v0  }
0x1ee: {  	[tilespmem:s11+$0x16000] =	vst v0  }
0x1ef: {  	[tilespmem:s11+$0x16010] =	vst v0  }
0x1f0: {  	[tilespmem:s11+$0x17000] =	vst v0  }
0x1f1: {  	_ =	swait.ge [sflag:s28], $0x4000  }
0x1f2: {  	[sflag:s28] =	ssyncset.done $0x0  }
0x1f3: {  	[sflag:s28] =	ssyncadd.s32 $0xFFFFC000  }
0x1f4: {  	_ =	swait.ge [sflag:s28], $0x4000  }
0x1f5: {  	[sflag:s28] =	ssyncset.done $0x0  }
0x1f6: {  	[sflag:s28] =	ssyncadd.s32 $0xFFFFC000  }
0x1f7: {  	_ =	swait.ge [sflag:s28], $0x4000  }
0x1f8: {  	[sflag:s28] =	ssyncset.done $0x0  }
0x1f9: {  	[sflag:s28] =	ssyncadd.s32 $0xFFFFC000  }
0x1fa: {  	_ =	swait.ge [sflag:s28], $0x4000  }
0x1fb: {  	[sflag:s28] =	ssyncset.done $0x0  }
0x1fc: {  	s11 =	simm.s32 $0x0;
	s12 =	simm.s32 $0x0;
	[sflag:s28] =	ssyncadd.s32 $0xFFFFC000  }
.LBB2_16:
0x1fd: {  	_ =	swait.ge [sflag:s29], $0x3000  }
0x1fe: {  	[sflag:s29] =	ssyncset.done $0x0  }
0x1ff: {  	s14 =	sand.u32 $0xFC0, s11;
	[sflag:s29] =	ssyncadd.s32 $0xFFFFD000  }
0x200: {  	s13 =	simm.s32 $0x19020;
	v2 =	vld [tilespmem:s14+$0x1A000]  }
0x201: {  	v10 =	vld [tilespmem:s13+$0xFFFFF010]  }
0x202: {  	v1 =	vld [tilespmem:s14+$0x19000]  }
0x203: {  	v8 =	vld [tilespmem:s13+$0xFFFFEFF0]  }
0x204: {  	v7 =	vld [tilespmem:s13+$0xFFFFF000]  }
0x205: {  	v11 =	vld [tilespmem:s13+$0xFFFFEFE0]  }
0x206: {  	v4 =	vld [tilespmem:s13+$0xFF0]  }
0x207: {  	v3 =	vld [tilespmem:s13+$0x1000]  }
0x208: {  	v9 =	vld [tilespmem:s13+$0x10]  }
0x209: {  	v12 =	vld [tilespmem:s13+$0x1010]  }
0x20a: {  	v5 =	vld [tilespmem:s13+$0xFFFFFFF0]  }
0x20b: {  	v13 =	vld.idx.msk [tilespmem:v10+s2+$0x0], $0xffff  }
0x20c: {  	v14 =	vld.idx.msk [tilespmem:v8+s2+$0x0], $0xffff  }
0x20d: {  	v6 =	vld [tilespmem:s13+$0x0]  }
0x20e: {  	v15 =	vld.idx.msk [tilespmem:v11+s2+$0x0], $0xffff  }
0x20f: {  	v16 =	vld.idx.msk [tilespmem:v7+s2+$0x0], $0xffff  }
0x210: {  	v13 =	vmul.f32 v13, v12  }
0x211: {  	v14 =	vmul.f32 v14, v4  }
0x212: {  	[tilespmem:v9+s5+$0x0] =	vst.idx.add.f32.msk $0xffff, v13  }
0x213: {  	v13 =	vmul.f32 v15, v2;
	[tilespmem:v5+s5+$0x0] =	vst.idx.add.f32.msk $0xffff, v14  }
0x214: {  	v14 =	vmul.f32 v16, v3;
	v15 =	vld.idx.msk [tilespmem:v10+s24+$0x0], $0xffff  }
0x215: {  	[tilespmem:v1+s5+$0x0] =	vst.idx.add.f32.msk $0xffff, v13  }
0x216: {  	[tilespmem:v6+s5+$0x0] =	vst.idx.add.f32.msk $0xffff, v14  }
0x217: {  	v14 =	vld.idx.msk [tilespmem:v8+s24+$0x0], $0xffff  }
0x218: {  	v13 =	vld.idx.msk [tilespmem:v11+s24+$0x0], $0xffff;
	_ =	sdelay $0x1  }
0x219: {  	v16 =	vld.idx.msk [tilespmem:v7+s24+$0x0], $0xffff;
	v15 =	vmul.f32 v15, v12;
	_ =	sdelay $0x1  }
0x21a: {  	v14 =	vmul.f32 v14, v4;
	[tilespmem:v9+s6+$0x0] =	vst.idx.add.f32.msk $0xffff, v15  }
0x21b: {  	v13 =	vmul.f32 v13, v2;
	v15 =	vld.idx.msk [tilespmem:v10+s25+$0x0], $0xffff  }
0x21c: {  	[tilespmem:v5+s6+$0x0] =	vst.idx.add.f32.msk $0xffff, v14  }
0x21d: {  	v16 =	vmul.f32 v16, v3;
	[tilespmem:v1+s6+$0x0] =	vst.idx.add.f32.msk $0xffff, v13  }
0x21e: {  	v13 =	vld.idx.msk [tilespmem:v11+s25+$0x0], $0xffff  }
0x21f: {  	[tilespmem:v6+s6+$0x0] =	vst.idx.add.f32.msk $0xffff, v16  }
0x220: {  	v14 =	vld.idx.msk [tilespmem:v8+s25+$0x0], $0xffff;
	v16 =	vmul.f32 v15, v12  }
0x221: {  	v15 =	vld.idx.msk [tilespmem:v7+s25+$0x0], $0xffff  }
0x222: {  	s15 =	simm.s32 $0x40;
	s14 =	simm.s32 $0x0;
	[tilespmem:v9+s7+$0x0] =	vst.idx.add.f32.msk $0xffff, v16  }
.LBB2_17:
0x223: {  	s16 =	sand.u32 $0xFC0, s15;
	v13 =	vmul.f32 v13, v2;
	v10 =	vld.idx.msk [tilespmem:v10+s26+$0x0], $0xffff  }
0x224: {  	v16 =	vld [tilespmem:s16+$0x1A000]  }
0x225: {  	[tilespmem:v1+s7+$0x0] =	vst.idx.add.f32.msk $0xffff, v13  }
0x226: {  	v13 =	vmul.f32 v14, v4;
	v11 =	vld.idx.msk [tilespmem:v11+s26+$0x0], $0xffff  }
0x227: {  	v15 =	vmul.f32 v15, v3;
	v14 =	vld [tilespmem:s16+$0x19000]  }
0x228: {  	[tilespmem:v5+s7+$0x0] =	vst.idx.add.f32.msk $0xffff, v13  }
0x229: {  	v10 =	vmul.f32 v10, v12;
	[tilespmem:v6+s7+$0x0] =	vst.idx.add.f32.msk $0xffff, v15  }
0x22a: {  	v12 =	vld.idx.msk [tilespmem:v8+s26+$0x0], $0xffff  }
0x22b: {  	s13 =	sadd.s32 $0x40, s13;
	[tilespmem:v9+s8+$0x0] =	vst.idx.add.f32.msk $0xffff, v10  }
0x22c: {  	s14 =	sadd.s32 $0x4, s14;
	v13 =	vmul.f32 v11, v2;
	v2 =	vmov v16;
	v10 =	vld [tilespmem:s13+$0xFFFFF010]  }
0x22d: {  	p0 =	slt.u32 s14, $0xFC;
	v8 =	vld [tilespmem:s13+$0xFFFFEFF0]  }
0x22e: {  	v15 =	vld [tilespmem:s13+$0xFFFFF000]  }
0x22f: {  	v11 =	vld [tilespmem:s13+$0xFFFFEFE0]  }
0x230: {  	v16 =	vmul.f32 v12, v4;
	v4 =	vld [tilespmem:s13+$0xFF0]  }
0x231: {  	v17 =	vld [tilespmem:s13+$0x1000]  }
0x232: {  	v18 =	vld [tilespmem:s13+$0xFFFFFFF0]  }
0x233: {  	v9 =	vld [tilespmem:s13+$0x10]  }
0x234: {  	v19 =	vld.idx.msk [tilespmem:v10+s2+$0x0], $0xffff  }
0x235: {  	v12 =	vld [tilespmem:s13+$0x1010]  }
0x236: {  	v20 =	vld.idx.msk [tilespmem:v8+s2+$0x0], $0xffff  }
0x237: {  	v21 =	vld.idx.msk [tilespmem:v11+s2+$0x0], $0xffff  }
0x238: {  	v22 =	vld.idx.msk [tilespmem:v15+s2+$0x0], $0xffff  }
0x239: {  	v23 =	vld [tilespmem:s13+$0x0]  }
0x23a: {  	v19 =	vmul.f32 v19, v12;
	v24 =	vld.idx.msk [tilespmem:v7+s26+$0x0], $0xffff;
	v7 =	vmov v15  }
0x23b: {  	[tilespmem:v1+s8+$0x0] =	vst.idx.add.f32.msk $0xffff, v13;
	v1 =	vmov v14  }
0x23c: {  	v13 =	vmul.f32 v20, v4;
	[tilespmem:v9+s5+$0x0] =	vst.idx.add.f32.msk $0xffff, v19  }
0x23d: {  	v15 =	vmul.f32 v21, v2;
	v19 =	vld.idx.msk [tilespmem:v10+s24+$0x0], $0xffff  }
0x23e: {  	[tilespmem:v18+s5+$0x0] =	vst.idx.add.f32.msk $0xffff, v13;
	v13 =	vmul.f32 v22, v17  }
0x23f: {  	[tilespmem:v14+s5+$0x0] =	vst.idx.add.f32.msk $0xffff, v15  }
0x240: {  	v15 =	vmul.f32 v24, v3;
	v3 =	vmov v17;
	v14 =	vld.idx.msk [tilespmem:v11+s24+$0x0], $0xffff  }
0x241: {  	[tilespmem:v23+s5+$0x0] =	vst.idx.add.f32.msk $0xffff, v13  }
0x242: {  	v13 =	vld.idx.msk [tilespmem:v8+s24+$0x0], $0xffff  }
0x243: {  	v19 =	vmul.f32 v19, v12;
	v17 =	vld.idx.msk [tilespmem:v7+s24+$0x0], $0xffff  }
0x244: {  	[tilespmem:v5+s8+$0x0] =	vst.idx.add.f32.msk $0xffff, v16;
	v5 =	vmov v18  }
0x245: {  	[tilespmem:v9+s6+$0x0] =	vst.idx.add.f32.msk $0xffff, v19  }
0x246: {  	v14 =	vmul.f32 v14, v2;
	v16 =	vld.idx.msk [tilespmem:v10+s25+$0x0], $0xffff  }
0x247: {  	[tilespmem:v6+s8+$0x0] =	vst.idx.add.f32.msk $0xffff, v15;
	v6 =	vmov v23  }
0x248: {  	[tilespmem:v1+s6+$0x0] =	vst.idx.add.f32.msk $0xffff, v14;
	v14 =	vmul.f32 v13, v4  }
0x249: {  	v15 =	vmul.f32 v17, v3;
	v13 =	vld.idx.msk [tilespmem:v11+s25+$0x0], $0xffff  }
.Ltmp7:
0x24a: {  	[tilespmem:v18+s6+$0x0] =	vst.idx.add.f32.msk $0xffff, v14;
	(pc) =	sbr.rel @p0 .LBB2_17-.Ltmp7, $4  }
0x24b: {  	[tilespmem:v23+s6+$0x0] =	vst.idx.add.f32.msk $0xffff, v15  }
0x24c: {  	v16 =	vmul.f32 v16, v12;
	v14 =	vld.idx.msk [tilespmem:v8+s25+$0x0], $0xffff  }
0x24d: {  	v15 =	vld.idx.msk [tilespmem:v7+s25+$0x0], $0xffff  }
0x24e: {  	s15 =	sadd.s32 $0x40, s15;
	[tilespmem:v9+s7+$0x0] =	vst.idx.add.f32.msk $0xffff, v16  }
0x24f: {  	_ =	sdelay $0x2  }
0x250: {  	v13 =	vmul.f32 v13, v2  }
0x251: {  	v10 =	vld.idx.msk [tilespmem:v10+s26+$0x0], $0xffff  }
0x252: {  	[tilespmem:v1+s7+$0x0] =	vst.idx.add.f32.msk $0xffff, v13;
	v13 =	vmul.f32 v14, v4  }
0x253: {  	v11 =	vld.idx.msk [tilespmem:v11+s26+$0x0], $0xffff;
	v14 =	vmul.f32 v15, v3  }
0x254: {  	[tilespmem:v5+s7+$0x0] =	vst.idx.add.f32.msk $0xffff, v13  }
0x255: {  	[tilespmem:v6+s7+$0x0] =	vst.idx.add.f32.msk $0xffff, v14  }
0x256: {  	v8 =	vld.idx.msk [tilespmem:v8+s26+$0x0], $0xffff  }
0x257: {  	v7 =	vld.idx.msk [tilespmem:v7+s26+$0x0], $0xffff;
	_ =	sdelay $0x1  }
0x258: {  	v10 =	vmul.f32 v10, v12  }
0x259: {  	s13 =	smul.u32 $0x6000, s12;
	v2 =	vmul.f32 v11, v2  }
0x25a: {  	[tilespmem:v9+s8+$0x0] =	vst.idx.add.f32.msk $0xffff, v10;
	v4 =	vmul.f32 v8, v4  }
0x25b: {  	s13 =	sshrl.u32 s13, $0x3;
	[tilespmem:v1+s8+$0x0] =	vst.idx.add.f32.msk $0xffff, v2;
	v1 =	vmul.f32 v7, v3  }
0x25c: {  	s13 =	sadd.s32 s3, s13;
	[tilespmem:v5+s8+$0x0] =	vst.idx.add.f32.msk $0xffff, v4  }
0x25d: {  	s15 =	simm.s32 $0x0;
	s14 =	sadd.s32 $0xC00, s13;
	[tilespmem:v6+s8+$0x0] =	vst.idx.add.f32.msk $0xffff, v1  }
0x25e: {  	[tilespmem:s22], [sflag:$0x1] =	stream.linear.gather [hbm4b:s14+s15], $0x3000, $0x38;
	[tilespmem:$0x1E000] =	vst v63  }
0x25f: {  	_ =	swait.ge [sflag:s29], $0x3000  }
0x260: {  	[sflag:s29] =	ssyncset.done $0x0  }
0x261: {  	s15 =	sand.u32 $0xFC0, s15;
	[sflag:s29] =	ssyncadd.s32 $0xFFFFD000  }
0x262: {  	s14 =	simm.s32 $0x1C020;
	v2 =	vld [tilespmem:s15+$0x1D000]  }
0x263: {  	v10 =	vld [tilespmem:s14+$0xFFFFF010]  }
0x264: {  	v1 =	vld [tilespmem:s15+$0x1C000]  }
0x265: {  	v8 =	vld [tilespmem:s14+$0xFFFFEFF0]  }
0x266: {  	v6 =	vld [tilespmem:s14+$0xFFFFF000]  }
0x267: {  	v11 =	vld [tilespmem:s14+$0xFFFFEFE0]  }
0x268: {  	v4 =	vld [tilespmem:s14+$0xFF0]  }
0x269: {  	v3 =	vld [tilespmem:s14+$0x1000]  }
0x26a: {  	v9 =	vld [tilespmem:s14+$0x10]  }
0x26b: {  	v12 =	vld [tilespmem:s14+$0x1010]  }
0x26c: {  	v5 =	vld [tilespmem:s14+$0xFFFFFFF0]  }
0x26d: {  	v13 =	vld.idx.msk [tilespmem:v10+s2+$0x0], $0xffff  }
0x26e: {  	v14 =	vld.idx.msk [tilespmem:v8+s2+$0x0], $0xffff  }
0x26f: {  	v7 =	vld [tilespmem:s14+$0x0]  }
0x270: {  	v15 =	vld.idx.msk [tilespmem:v11+s2+$0x0], $0xffff  }
0x271: {  	v16 =	vld.idx.msk [tilespmem:v6+s2+$0x0], $0xffff  }
0x272: {  	v13 =	vmul.f32 v13, v12  }
0x273: {  	v14 =	vmul.f32 v14, v4  }
0x274: {  	[tilespmem:v9+s5+$0x0] =	vst.idx.add.f32.msk $0xffff, v13  }
0x275: {  	v13 =	vmul.f32 v15, v2;
	[tilespmem:v5+s5+$0x0] =	vst.idx.add.f32.msk $0xffff, v14  }
0x276: {  	v14 =	vmul.f32 v16, v3;
	v15 =	vld.idx.msk [tilespmem:v10+s24+$0x0], $0xffff  }
0x277: {  	[tilespmem:v1+s5+$0x0] =	vst.idx.add.f32.msk $0xffff, v13  }
0x278: {  	[tilespmem:v7+s5+$0x0] =	vst.idx.add.f32.msk $0xffff, v14  }
0x279: {  	v14 =	vld.idx.msk [tilespmem:v8+s24+$0x0], $0xffff  }
0x27a: {  	v13 =	vld.idx.msk [tilespmem:v11+s24+$0x0], $0xffff;
	_ =	sdelay $0x1  }
0x27b: {  	v16 =	vld.idx.msk [tilespmem:v6+s24+$0x0], $0xffff;
	v15 =	vmul.f32 v15, v12;
	_ =	sdelay $0x1  }
0x27c: {  	v14 =	vmul.f32 v14, v4;
	[tilespmem:v9+s6+$0x0] =	vst.idx.add.f32.msk $0xffff, v15  }
0x27d: {  	v13 =	vmul.f32 v13, v2;
	v15 =	vld.idx.msk [tilespmem:v10+s25+$0x0], $0xffff  }
0x27e: {  	[tilespmem:v5+s6+$0x0] =	vst.idx.add.f32.msk $0xffff, v14  }
0x27f: {  	v16 =	vmul.f32 v16, v3;
	[tilespmem:v1+s6+$0x0] =	vst.idx.add.f32.msk $0xffff, v13  }
0x280: {  	v13 =	vld.idx.msk [tilespmem:v11+s25+$0x0], $0xffff  }
0x281: {  	[tilespmem:v7+s6+$0x0] =	vst.idx.add.f32.msk $0xffff, v16  }
0x282: {  	v14 =	vld.idx.msk [tilespmem:v8+s25+$0x0], $0xffff;
	v16 =	vmul.f32 v15, v12  }
0x283: {  	v15 =	vld.idx.msk [tilespmem:v6+s25+$0x0], $0xffff  }
0x284: {  	s16 =	simm.s32 $0x40;
	s15 =	simm.s32 $0x0;
	[tilespmem:v9+s7+$0x0] =	vst.idx.add.f32.msk $0xffff, v16  }
.LBB2_19:
0x285: {  	s17 =	sand.u32 $0xFC0, s16;
	v13 =	vmul.f32 v13, v2;
	v10 =	vld.idx.msk [tilespmem:v10+s26+$0x0], $0xffff  }
0x286: {  	v16 =	vld [tilespmem:s17+$0x1D000]  }
0x287: {  	[tilespmem:v1+s7+$0x0] =	vst.idx.add.f32.msk $0xffff, v13  }
0x288: {  	v13 =	vmul.f32 v14, v4;
	v11 =	vld.idx.msk [tilespmem:v11+s26+$0x0], $0xffff  }
0x289: {  	v15 =	vmul.f32 v15, v3;
	v14 =	vld [tilespmem:s17+$0x1C000]  }
0x28a: {  	[tilespmem:v5+s7+$0x0] =	vst.idx.add.f32.msk $0xffff, v13  }
0x28b: {  	v10 =	vmul.f32 v10, v12;
	[tilespmem:v7+s7+$0x0] =	vst.idx.add.f32.msk $0xffff, v15  }
0x28c: {  	v12 =	vld.idx.msk [tilespmem:v8+s26+$0x0], $0xffff  }
0x28d: {  	s14 =	sadd.s32 $0x40, s14;
	[tilespmem:v9+s8+$0x0] =	vst.idx.add.f32.msk $0xffff, v10  }
0x28e: {  	s15 =	sadd.s32 $0x4, s15;
	v13 =	vmul.f32 v11, v2;
	v2 =	vmov v16;
	v10 =	vld [tilespmem:s14+$0xFFFFF010]  }
0x28f: {  	p0 =	slt.u32 s15, $0xFC;
	v8 =	vld [tilespmem:s14+$0xFFFFEFF0]  }
0x290: {  	v15 =	vld [tilespmem:s14+$0xFFFFF000]  }
0x291: {  	v11 =	vld [tilespmem:s14+$0xFFFFEFE0]  }
0x292: {  	v16 =	vmul.f32 v12, v4;
	v4 =	vld [tilespmem:s14+$0xFF0]  }
0x293: {  	v17 =	vld [tilespmem:s14+$0x1000]  }
0x294: {  	v18 =	vld [tilespmem:s14+$0xFFFFFFF0]  }
0x295: {  	v9 =	vld [tilespmem:s14+$0x10]  }
0x296: {  	v19 =	vld.idx.msk [tilespmem:v10+s2+$0x0], $0xffff  }
0x297: {  	v12 =	vld [tilespmem:s14+$0x1010]  }
0x298: {  	v20 =	vld.idx.msk [tilespmem:v8+s2+$0x0], $0xffff  }
0x299: {  	v21 =	vld.idx.msk [tilespmem:v11+s2+$0x0], $0xffff  }
0x29a: {  	v22 =	vld.idx.msk [tilespmem:v15+s2+$0x0], $0xffff  }
0x29b: {  	v23 =	vld [tilespmem:s14+$0x0]  }
0x29c: {  	v19 =	vmul.f32 v19, v12;
	v24 =	vld.idx.msk [tilespmem:v6+s26+$0x0], $0xffff;
	v6 =	vmov v15  }
0x29d: {  	[tilespmem:v1+s8+$0x0] =	vst.idx.add.f32.msk $0xffff, v13;
	v1 =	vmov v14  }
0x29e: {  	v13 =	vmul.f32 v20, v4;
	[tilespmem:v9+s5+$0x0] =	vst.idx.add.f32.msk $0xffff, v19  }
0x29f: {  	v15 =	vmul.f32 v21, v2;
	v19 =	vld.idx.msk [tilespmem:v10+s24+$0x0], $0xffff  }
0x2a0: {  	[tilespmem:v18+s5+$0x0] =	vst.idx.add.f32.msk $0xffff, v13;
	v13 =	vmul.f32 v22, v17  }
0x2a1: {  	[tilespmem:v14+s5+$0x0] =	vst.idx.add.f32.msk $0xffff, v15  }
0x2a2: {  	v15 =	vmul.f32 v24, v3;
	v3 =	vmov v17;
	v14 =	vld.idx.msk [tilespmem:v11+s24+$0x0], $0xffff  }
0x2a3: {  	[tilespmem:v23+s5+$0x0] =	vst.idx.add.f32.msk $0xffff, v13  }
0x2a4: {  	v13 =	vld.idx.msk [tilespmem:v8+s24+$0x0], $0xffff  }
0x2a5: {  	v19 =	vmul.f32 v19, v12;
	v17 =	vld.idx.msk [tilespmem:v6+s24+$0x0], $0xffff  }
0x2a6: {  	[tilespmem:v5+s8+$0x0] =	vst.idx.add.f32.msk $0xffff, v16;
	v5 =	vmov v18  }
0x2a7: {  	[tilespmem:v9+s6+$0x0] =	vst.idx.add.f32.msk $0xffff, v19  }
0x2a8: {  	v14 =	vmul.f32 v14, v2;
	v16 =	vld.idx.msk [tilespmem:v10+s25+$0x0], $0xffff  }
0x2a9: {  	[tilespmem:v7+s8+$0x0] =	vst.idx.add.f32.msk $0xffff, v15;
	v7 =	vmov v23  }
0x2aa: {  	[tilespmem:v1+s6+$0x0] =	vst.idx.add.f32.msk $0xffff, v14;
	v14 =	vmul.f32 v13, v4  }
0x2ab: {  	v15 =	vmul.f32 v17, v3;
	v13 =	vld.idx.msk [tilespmem:v11+s25+$0x0], $0xffff  }
.Ltmp8:
0x2ac: {  	[tilespmem:v18+s6+$0x0] =	vst.idx.add.f32.msk $0xffff, v14;
	(pc) =	sbr.rel @p0 .LBB2_19-.Ltmp8, $4  }
0x2ad: {  	[tilespmem:v23+s6+$0x0] =	vst.idx.add.f32.msk $0xffff, v15  }
0x2ae: {  	v16 =	vmul.f32 v16, v12;
	v14 =	vld.idx.msk [tilespmem:v8+s25+$0x0], $0xffff  }
0x2af: {  	v15 =	vld.idx.msk [tilespmem:v6+s25+$0x0], $0xffff  }
0x2b0: {  	s16 =	sadd.s32 $0x40, s16;
	[tilespmem:v9+s7+$0x0] =	vst.idx.add.f32.msk $0xffff, v16  }
0x2b1: {  	_ =	sdelay $0x2  }
0x2b2: {  	v13 =	vmul.f32 v13, v2  }
0x2b3: {  	v10 =	vld.idx.msk [tilespmem:v10+s26+$0x0], $0xffff  }
0x2b4: {  	[tilespmem:v1+s7+$0x0] =	vst.idx.add.f32.msk $0xffff, v13;
	v61 =	vmul.f32 v14, v4  }
0x2b5: {  	v11 =	vld.idx.msk [tilespmem:v11+s26+$0x0], $0xffff;
	v62 =	vmul.f32 v15, v3  }
0x2b6: {  	[tilespmem:v5+s7+$0x0] =	vst.idx.add.f32.msk $0xffff, v61  }
0x2b7: {  	[tilespmem:v7+s7+$0x0] =	vst.idx.add.f32.msk $0xffff, v62  }
0x2b8: {  	v8 =	vld.idx.msk [tilespmem:v8+s26+$0x0], $0xffff  }
0x2b9: {  	v6 =	vld.idx.msk [tilespmem:v6+s26+$0x0], $0xffff;
	_ =	sdelay $0x1  }
0x2ba: {  	s12 =	sadd.s32 $0x1, s12;
	v10 =	vmul.f32 v10, v12  }
0x2bb: {  	p0 =	sne.s32 s12, $0xF;
	v2 =	vmul.f32 v11, v2  }
.Ltmp9:
0x2bc: {  	[tilespmem:v9+s8+$0x0] =	vst.idx.add.f32.msk $0xffff, v10;
	v63 =	vmul.f32 v8, v4;
	(pc) =	sbr.rel @p0 .LBB2_16-.Ltmp9, $4  }
0x2bd: {  	[tilespmem:v1+s8+$0x0] =	vst.idx.add.f32.msk $0xffff, v2;
	v1 =	vmul.f32 v6, v3  }
0x2be: {  	[tilespmem:v5+s8+$0x0] =	vst.idx.add.f32.msk $0xffff, v63  }
0x2bf: {  	s13 =	sadd.s32 $0x1200, s13;
	[tilespmem:v7+s8+$0x0] =	vst.idx.add.f32.msk $0xffff, v1  }
0x2c0: {  	[tilespmem:s23], [sflag:$0x1] =	stream.linear.gather [hbm4b:s13+s2], $0x3000, $0x38;
	[tilespmem:$0x1E000] =	vst v63  }
0x2c1: {  	_ =	swait.ge [sflag:s29], $0x3000  }
0x2c2: {  	s11 =	simm.s32 $0x0;
	[sflag:s29] =	ssyncset.done $0x0  }
0x2c3: {  	s12 =	sand.u32 $0xFC0, s11;
	[sflag:s29] =	ssyncadd.s32 $0xFFFFD000  }
0x2c4: {  	s11 =	simm.s32 $0x19020;
	v2 =	vld [tilespmem:s12+$0x1A000]  }
0x2c5: {  	v10 =	vld [tilespmem:s11+$0xFFFFF010]  }
0x2c6: {  	v1 =	vld [tilespmem:s12+$0x19000]  }
0x2c7: {  	v8 =	vld [tilespmem:s11+$0xFFFFEFF0]  }
0x2c8: {  	v6 =	vld [tilespmem:s11+$0xFFFFF000]  }
0x2c9: {  	v11 =	vld [tilespmem:s11+$0xFFFFEFE0]  }
0x2ca: {  	v4 =	vld [tilespmem:s11+$0xFF0]  }
0x2cb: {  	v3 =	vld [tilespmem:s11+$0x1000]  }
0x2cc: {  	v9 =	vld [tilespmem:s11+$0x10]  }
0x2cd: {  	v12 =	vld [tilespmem:s11+$0x1010]  }
0x2ce: {  	v5 =	vld [tilespmem:s11+$0xFFFFFFF0]  }
0x2cf: {  	v13 =	vld.idx.msk [tilespmem:v10+s2+$0x0], $0xffff  }
0x2d0: {  	v14 =	vld.idx.msk [tilespmem:v8+s2+$0x0], $0xffff  }
0x2d1: {  	v7 =	vld [tilespmem:s11+$0x0]  }
0x2d2: {  	v15 =	vld.idx.msk [tilespmem:v11+s2+$0x0], $0xffff  }
0x2d3: {  	v16 =	vld.idx.msk [tilespmem:v6+s2+$0x0], $0xffff  }
0x2d4: {  	v13 =	vmul.f32 v13, v12  }
0x2d5: {  	v14 =	vmul.f32 v14, v4  }
0x2d6: {  	[tilespmem:v9+s5+$0x0] =	vst.idx.add.f32.msk $0xffff, v13  }
0x2d7: {  	v13 =	vmul.f32 v15, v2;
	[tilespmem:v5+s5+$0x0] =	vst.idx.add.f32.msk $0xffff, v14  }
0x2d8: {  	v14 =	vmul.f32 v16, v3;
	v15 =	vld.idx.msk [tilespmem:v10+s24+$0x0], $0xffff  }
0x2d9: {  	[tilespmem:v1+s5+$0x0] =	vst.idx.add.f32.msk $0xffff, v13  }
0x2da: {  	[tilespmem:v7+s5+$0x0] =	vst.idx.add.f32.msk $0xffff, v14  }
0x2db: {  	v14 =	vld.idx.msk [tilespmem:v8+s24+$0x0], $0xffff  }
0x2dc: {  	v13 =	vld.idx.msk [tilespmem:v11+s24+$0x0], $0xffff;
	_ =	sdelay $0x1  }
0x2dd: {  	v16 =	vld.idx.msk [tilespmem:v6+s24+$0x0], $0xffff;
	v15 =	vmul.f32 v15, v12;
	_ =	sdelay $0x1  }
0x2de: {  	v14 =	vmul.f32 v14, v4;
	[tilespmem:v9+s6+$0x0] =	vst.idx.add.f32.msk $0xffff, v15  }
0x2df: {  	v13 =	vmul.f32 v13, v2;
	v15 =	vld.idx.msk [tilespmem:v10+s25+$0x0], $0xffff  }
0x2e0: {  	[tilespmem:v5+s6+$0x0] =	vst.idx.add.f32.msk $0xffff, v14  }
0x2e1: {  	v16 =	vmul.f32 v16, v3;
	[tilespmem:v1+s6+$0x0] =	vst.idx.add.f32.msk $0xffff, v13  }
0x2e2: {  	v13 =	vld.idx.msk [tilespmem:v11+s25+$0x0], $0xffff  }
0x2e3: {  	[tilespmem:v7+s6+$0x0] =	vst.idx.add.f32.msk $0xffff, v16  }
0x2e4: {  	v14 =	vld.idx.msk [tilespmem:v8+s25+$0x0], $0xffff;
	v16 =	vmul.f32 v15, v12  }
0x2e5: {  	v15 =	vld.idx.msk [tilespmem:v6+s25+$0x0], $0xffff  }
0x2e6: {  	s13 =	simm.s32 $0x40;
	s12 =	simm.s32 $0x0;
	[tilespmem:v9+s7+$0x0] =	vst.idx.add.f32.msk $0xffff, v16  }
.LBB2_22:
0x2e7: {  	s14 =	sand.u32 $0xFC0, s13;
	v13 =	vmul.f32 v13, v2;
	v10 =	vld.idx.msk [tilespmem:v10+s26+$0x0], $0xffff  }
0x2e8: {  	v16 =	vld [tilespmem:s14+$0x1A000]  }
0x2e9: {  	[tilespmem:v1+s7+$0x0] =	vst.idx.add.f32.msk $0xffff, v13  }
0x2ea: {  	v13 =	vmul.f32 v14, v4;
	v11 =	vld.idx.msk [tilespmem:v11+s26+$0x0], $0xffff  }
0x2eb: {  	v15 =	vmul.f32 v15, v3;
	v14 =	vld [tilespmem:s14+$0x19000]  }
0x2ec: {  	[tilespmem:v5+s7+$0x0] =	vst.idx.add.f32.msk $0xffff, v13  }
0x2ed: {  	v10 =	vmul.f32 v10, v12;
	[tilespmem:v7+s7+$0x0] =	vst.idx.add.f32.msk $0xffff, v15  }
0x2ee: {  	v12 =	vld.idx.msk [tilespmem:v8+s26+$0x0], $0xffff  }
0x2ef: {  	s11 =	sadd.s32 $0x40, s11;
	[tilespmem:v9+s8+$0x0] =	vst.idx.add.f32.msk $0xffff, v10  }
0x2f0: {  	s12 =	sadd.s32 $0x4, s12;
	v13 =	vmul.f32 v11, v2;
	v2 =	vmov v16;
	v10 =	vld [tilespmem:s11+$0xFFFFF010]  }
0x2f1: {  	p0 =	slt.u32 s12, $0xFC;
	v8 =	vld [tilespmem:s11+$0xFFFFEFF0]  }
0x2f2: {  	v15 =	vld [tilespmem:s11+$0xFFFFF000]  }
0x2f3: {  	v11 =	vld [tilespmem:s11+$0xFFFFEFE0]  }
0x2f4: {  	v16 =	vmul.f32 v12, v4;
	v4 =	vld [tilespmem:s11+$0xFF0]  }
0x2f5: {  	v17 =	vld [tilespmem:s11+$0x1000]  }
0x2f6: {  	v18 =	vld [tilespmem:s11+$0xFFFFFFF0]  }
0x2f7: {  	v9 =	vld [tilespmem:s11+$0x10]  }
0x2f8: {  	v19 =	vld.idx.msk [tilespmem:v10+s2+$0x0], $0xffff  }
0x2f9: {  	v12 =	vld [tilespmem:s11+$0x1010]  }
0x2fa: {  	v20 =	vld.idx.msk [tilespmem:v8+s2+$0x0], $0xffff  }
0x2fb: {  	v21 =	vld.idx.msk [tilespmem:v11+s2+$0x0], $0xffff  }
0x2fc: {  	v22 =	vld.idx.msk [tilespmem:v15+s2+$0x0], $0xffff  }
0x2fd: {  	v23 =	vld [tilespmem:s11+$0x0]  }
0x2fe: {  	v19 =	vmul.f32 v19, v12;
	v24 =	vld.idx.msk [tilespmem:v6+s26+$0x0], $0xffff;
	v6 =	vmov v15  }
0x2ff: {  	[tilespmem:v1+s8+$0x0] =	vst.idx.add.f32.msk $0xffff, v13;
	v1 =	vmov v14  }
0x300: {  	v13 =	vmul.f32 v20, v4;
	[tilespmem:v9+s5+$0x0] =	vst.idx.add.f32.msk $0xffff, v19  }
0x301: {  	v15 =	vmul.f32 v21, v2;
	v19 =	vld.idx.msk [tilespmem:v10+s24+$0x0], $0xffff  }
0x302: {  	[tilespmem:v18+s5+$0x0] =	vst.idx.add.f32.msk $0xffff, v13;
	v13 =	vmul.f32 v22, v17  }
0x303: {  	[tilespmem:v14+s5+$0x0] =	vst.idx.add.f32.msk $0xffff, v15  }
0x304: {  	v15 =	vmul.f32 v24, v3;
	v3 =	vmov v17;
	v14 =	vld.idx.msk [tilespmem:v11+s24+$0x0], $0xffff  }
0x305: {  	[tilespmem:v23+s5+$0x0] =	vst.idx.add.f32.msk $0xffff, v13  }
0x306: {  	v13 =	vld.idx.msk [tilespmem:v8+s24+$0x0], $0xffff  }
0x307: {  	v19 =	vmul.f32 v19, v12;
	v17 =	vld.idx.msk [tilespmem:v6+s24+$0x0], $0xffff  }
0x308: {  	[tilespmem:v5+s8+$0x0] =	vst.idx.add.f32.msk $0xffff, v16;
	v5 =	vmov v18  }
0x309: {  	[tilespmem:v9+s6+$0x0] =	vst.idx.add.f32.msk $0xffff, v19  }
0x30a: {  	v14 =	vmul.f32 v14, v2;
	v16 =	vld.idx.msk [tilespmem:v10+s25+$0x0], $0xffff  }
0x30b: {  	[tilespmem:v7+s8+$0x0] =	vst.idx.add.f32.msk $0xffff, v15;
	v7 =	vmov v23  }
0x30c: {  	[tilespmem:v1+s6+$0x0] =	vst.idx.add.f32.msk $0xffff, v14;
	v14 =	vmul.f32 v13, v4  }
0x30d: {  	v15 =	vmul.f32 v17, v3;
	v13 =	vld.idx.msk [tilespmem:v11+s25+$0x0], $0xffff  }
.Ltmp10:
0x30e: {  	[tilespmem:v18+s6+$0x0] =	vst.idx.add.f32.msk $0xffff, v14;
	(pc) =	sbr.rel @p0 .LBB2_22-.Ltmp10, $4  }
0x30f: {  	[tilespmem:v23+s6+$0x0] =	vst.idx.add.f32.msk $0xffff, v15  }
0x310: {  	v16 =	vmul.f32 v16, v12;
	v14 =	vld.idx.msk [tilespmem:v8+s25+$0x0], $0xffff  }
0x311: {  	v15 =	vld.idx.msk [tilespmem:v6+s25+$0x0], $0xffff  }
0x312: {  	s13 =	sadd.s32 $0x40, s13;
	[tilespmem:v9+s7+$0x0] =	vst.idx.add.f32.msk $0xffff, v16  }
0x313: {  	_ =	sdelay $0x2  }
0x314: {  	v13 =	vmul.f32 v13, v2  }
0x315: {  	v10 =	vld.idx.msk [tilespmem:v10+s26+$0x0], $0xffff  }
0x316: {  	[tilespmem:v1+s7+$0x0] =	vst.idx.add.f32.msk $0xffff, v13;
	v13 =	vmul.f32 v14, v4  }
0x317: {  	v11 =	vld.idx.msk [tilespmem:v11+s26+$0x0], $0xffff;
	v14 =	vmul.f32 v15, v3  }
0x318: {  	[tilespmem:v5+s7+$0x0] =	vst.idx.add.f32.msk $0xffff, v13  }
0x319: {  	[tilespmem:v7+s7+$0x0] =	vst.idx.add.f32.msk $0xffff, v14  }
0x31a: {  	v8 =	vld.idx.msk [tilespmem:v8+s26+$0x0], $0xffff  }
0x31b: {  	v6 =	vld.idx.msk [tilespmem:v6+s26+$0x0], $0xffff;
	_ =	sdelay $0x1  }
0x31c: {  	v10 =	vmul.f32 v10, v12  }
0x31d: {  	v2 =	vmul.f32 v11, v2  }
0x31e: {  	[tilespmem:v9+s8+$0x0] =	vst.idx.add.f32.msk $0xffff, v10;
	v4 =	vmul.f32 v8, v4  }
0x31f: {  	[tilespmem:v1+s8+$0x0] =	vst.idx.add.f32.msk $0xffff, v2;
	v1 =	vmul.f32 v6, v3  }
0x320: {  	[tilespmem:v5+s8+$0x0] =	vst.idx.add.f32.msk $0xffff, v4  }
0x321: {  	[tilespmem:v7+s8+$0x0] =	vst.idx.add.f32.msk $0xffff, v1  }
0x322: {  	_ =	swait.ge [sflag:s29], $0x3000  }
0x323: {  	s11 =	simm.s32 $0x0;
	[sflag:s29] =	ssyncset.done $0x0  }
0x324: {  	s12 =	sand.u32 $0xFC0, s11;
	[sflag:s29] =	ssyncadd.s32 $0xFFFFD000  }
0x325: {  	s11 =	simm.s32 $0x1C020;
	v2 =	vld [tilespmem:s12+$0x1D000]  }
0x326: {  	v10 =	vld [tilespmem:s11+$0xFFFFF010]  }
0x327: {  	v1 =	vld [tilespmem:s12+$0x1C000]  }
0x328: {  	v8 =	vld [tilespmem:s11+$0xFFFFEFF0]  }
0x329: {  	v6 =	vld [tilespmem:s11+$0xFFFFF000]  }
0x32a: {  	v11 =	vld [tilespmem:s11+$0xFFFFEFE0]  }
0x32b: {  	v4 =	vld [tilespmem:s11+$0xFF0]  }
0x32c: {  	v3 =	vld [tilespmem:s11+$0x1000]  }
0x32d: {  	v9 =	vld [tilespmem:s11+$0x10]  }
0x32e: {  	v12 =	vld [tilespmem:s11+$0x1010]  }
0x32f: {  	v5 =	vld [tilespmem:s11+$0xFFFFFFF0]  }
0x330: {  	v13 =	vld.idx.msk [tilespmem:v10+s2+$0x0], $0xffff  }
0x331: {  	v14 =	vld.idx.msk [tilespmem:v8+s2+$0x0], $0xffff  }
0x332: {  	v7 =	vld [tilespmem:s11+$0x0]  }
0x333: {  	v15 =	vld.idx.msk [tilespmem:v11+s2+$0x0], $0xffff  }
0x334: {  	v16 =	vld.idx.msk [tilespmem:v6+s2+$0x0], $0xffff  }
0x335: {  	v13 =	vmul.f32 v13, v12  }
0x336: {  	v14 =	vmul.f32 v14, v4  }
0x337: {  	[tilespmem:v9+s5+$0x0] =	vst.idx.add.f32.msk $0xffff, v13  }
0x338: {  	v13 =	vmul.f32 v15, v2;
	[tilespmem:v5+s5+$0x0] =	vst.idx.add.f32.msk $0xffff, v14  }
0x339: {  	v14 =	vmul.f32 v16, v3;
	v15 =	vld.idx.msk [tilespmem:v10+s24+$0x0], $0xffff  }
0x33a: {  	[tilespmem:v1+s5+$0x0] =	vst.idx.add.f32.msk $0xffff, v13  }
0x33b: {  	[tilespmem:v7+s5+$0x0] =	vst.idx.add.f32.msk $0xffff, v14  }
0x33c: {  	v14 =	vld.idx.msk [tilespmem:v8+s24+$0x0], $0xffff  }
0x33d: {  	v13 =	vld.idx.msk [tilespmem:v11+s24+$0x0], $0xffff;
	_ =	sdelay $0x1  }
0x33e: {  	v16 =	vld.idx.msk [tilespmem:v6+s24+$0x0], $0xffff;
	v15 =	vmul.f32 v15, v12;
	_ =	sdelay $0x1  }
0x33f: {  	v14 =	vmul.f32 v14, v4;
	[tilespmem:v9+s6+$0x0] =	vst.idx.add.f32.msk $0xffff, v15  }
0x340: {  	v13 =	vmul.f32 v13, v2;
	v15 =	vld.idx.msk [tilespmem:v10+s25+$0x0], $0xffff  }
0x341: {  	[tilespmem:v5+s6+$0x0] =	vst.idx.add.f32.msk $0xffff, v14  }
0x342: {  	v16 =	vmul.f32 v16, v3;
	[tilespmem:v1+s6+$0x0] =	vst.idx.add.f32.msk $0xffff, v13  }
0x343: {  	v13 =	vld.idx.msk [tilespmem:v11+s25+$0x0], $0xffff  }
0x344: {  	[tilespmem:v7+s6+$0x0] =	vst.idx.add.f32.msk $0xffff, v16  }
0x345: {  	v14 =	vld.idx.msk [tilespmem:v8+s25+$0x0], $0xffff;
	v16 =	vmul.f32 v15, v12  }
0x346: {  	v15 =	vld.idx.msk [tilespmem:v6+s25+$0x0], $0xffff  }
0x347: {  	s13 =	simm.s32 $0x40;
	s12 =	simm.s32 $0x0;
	[tilespmem:v9+s7+$0x0] =	vst.idx.add.f32.msk $0xffff, v16  }
.LBB2_24:
0x348: {  	s14 =	sand.u32 $0xFC0, s13;
	v13 =	vmul.f32 v13, v2;
	v10 =	vld.idx.msk [tilespmem:v10+s26+$0x0], $0xffff  }
0x349: {  	v16 =	vld [tilespmem:s14+$0x1D000]  }
0x34a: {  	[tilespmem:v1+s7+$0x0] =	vst.idx.add.f32.msk $0xffff, v13  }
0x34b: {  	v13 =	vmul.f32 v14, v4;
	v11 =	vld.idx.msk [tilespmem:v11+s26+$0x0], $0xffff  }
0x34c: {  	v15 =	vmul.f32 v15, v3;
	v14 =	vld [tilespmem:s14+$0x1C000]  }
0x34d: {  	[tilespmem:v5+s7+$0x0] =	vst.idx.add.f32.msk $0xffff, v13  }
0x34e: {  	v10 =	vmul.f32 v10, v12;
	[tilespmem:v7+s7+$0x0] =	vst.idx.add.f32.msk $0xffff, v15  }
0x34f: {  	v12 =	vld.idx.msk [tilespmem:v8+s26+$0x0], $0xffff  }
0x350: {  	s11 =	sadd.s32 $0x40, s11;
	[tilespmem:v9+s8+$0x0] =	vst.idx.add.f32.msk $0xffff, v10  }
0x351: {  	s12 =	sadd.s32 $0x4, s12;
	v13 =	vmul.f32 v11, v2;
	v2 =	vmov v16;
	v10 =	vld [tilespmem:s11+$0xFFFFF010]  }
0x352: {  	p0 =	slt.u32 s12, $0xFC;
	v8 =	vld [tilespmem:s11+$0xFFFFEFF0]  }
0x353: {  	v15 =	vld [tilespmem:s11+$0xFFFFF000]  }
0x354: {  	v11 =	vld [tilespmem:s11+$0xFFFFEFE0]  }
0x355: {  	v16 =	vmul.f32 v12, v4;
	v4 =	vld [tilespmem:s11+$0xFF0]  }
0x356: {  	v17 =	vld [tilespmem:s11+$0x1000]  }
0x357: {  	v18 =	vld [tilespmem:s11+$0xFFFFFFF0]  }
0x358: {  	v9 =	vld [tilespmem:s11+$0x10]  }
0x359: {  	v19 =	vld.idx.msk [tilespmem:v10+s2+$0x0], $0xffff  }
0x35a: {  	v12 =	vld [tilespmem:s11+$0x1010]  }
0x35b: {  	v20 =	vld.idx.msk [tilespmem:v8+s2+$0x0], $0xffff  }
0x35c: {  	v21 =	vld.idx.msk [tilespmem:v11+s2+$0x0], $0xffff  }
0x35d: {  	v22 =	vld.idx.msk [tilespmem:v15+s2+$0x0], $0xffff  }
0x35e: {  	v23 =	vld [tilespmem:s11+$0x0]  }
0x35f: {  	v19 =	vmul.f32 v19, v12;
	v24 =	vld.idx.msk [tilespmem:v6+s26+$0x0], $0xffff;
	v6 =	vmov v15  }
0x360: {  	[tilespmem:v1+s8+$0x0] =	vst.idx.add.f32.msk $0xffff, v13;
	v1 =	vmov v14  }
0x361: {  	v13 =	vmul.f32 v20, v4;
	[tilespmem:v9+s5+$0x0] =	vst.idx.add.f32.msk $0xffff, v19  }
0x362: {  	v15 =	vmul.f32 v21, v2;
	v19 =	vld.idx.msk [tilespmem:v10+s24+$0x0], $0xffff  }
0x363: {  	[tilespmem:v18+s5+$0x0] =	vst.idx.add.f32.msk $0xffff, v13;
	v13 =	vmul.f32 v22, v17  }
0x364: {  	[tilespmem:v14+s5+$0x0] =	vst.idx.add.f32.msk $0xffff, v15  }
0x365: {  	v15 =	vmul.f32 v24, v3;
	v3 =	vmov v17;
	v14 =	vld.idx.msk [tilespmem:v11+s24+$0x0], $0xffff  }
0x366: {  	[tilespmem:v23+s5+$0x0] =	vst.idx.add.f32.msk $0xffff, v13  }
0x367: {  	v13 =	vld.idx.msk [tilespmem:v8+s24+$0x0], $0xffff  }
0x368: {  	v19 =	vmul.f32 v19, v12;
	v17 =	vld.idx.msk [tilespmem:v6+s24+$0x0], $0xffff  }
0x369: {  	[tilespmem:v5+s8+$0x0] =	vst.idx.add.f32.msk $0xffff, v16;
	v5 =	vmov v18  }
0x36a: {  	[tilespmem:v9+s6+$0x0] =	vst.idx.add.f32.msk $0xffff, v19  }
0x36b: {  	v14 =	vmul.f32 v14, v2;
	v16 =	vld.idx.msk [tilespmem:v10+s25+$0x0], $0xffff  }
0x36c: {  	[tilespmem:v7+s8+$0x0] =	vst.idx.add.f32.msk $0xffff, v15;
	v7 =	vmov v23  }
0x36d: {  	[tilespmem:v1+s6+$0x0] =	vst.idx.add.f32.msk $0xffff, v14;
	v14 =	vmul.f32 v13, v4  }
0x36e: {  	v15 =	vmul.f32 v17, v3;
	v13 =	vld.idx.msk [tilespmem:v11+s25+$0x0], $0xffff  }
.Ltmp11:
0x36f: {  	[tilespmem:v18+s6+$0x0] =	vst.idx.add.f32.msk $0xffff, v14;
	(pc) =	sbr.rel @p0 .LBB2_24-.Ltmp11, $4  }
0x370: {  	[tilespmem:v23+s6+$0x0] =	vst.idx.add.f32.msk $0xffff, v15  }
0x371: {  	v16 =	vmul.f32 v16, v12;
	v14 =	vld.idx.msk [tilespmem:v8+s25+$0x0], $0xffff  }
0x372: {  	v15 =	vld.idx.msk [tilespmem:v6+s25+$0x0], $0xffff  }
0x373: {  	s13 =	sadd.s32 $0x40, s13;
	[tilespmem:v9+s7+$0x0] =	vst.idx.add.f32.msk $0xffff, v16  }
0x374: {  	_ =	sdelay $0x2  }
0x375: {  	v13 =	vmul.f32 v13, v2  }
0x376: {  	v10 =	vld.idx.msk [tilespmem:v10+s26+$0x0], $0xffff  }
0x377: {  	[tilespmem:v1+s7+$0x0] =	vst.idx.add.f32.msk $0xffff, v13;
	v61 =	vmul.f32 v14, v4  }
0x378: {  	v11 =	vld.idx.msk [tilespmem:v11+s26+$0x0], $0xffff;
	v62 =	vmul.f32 v15, v3  }
0x379: {  	[tilespmem:v5+s7+$0x0] =	vst.idx.add.f32.msk $0xffff, v61  }
0x37a: {  	[tilespmem:v7+s7+$0x0] =	vst.idx.add.f32.msk $0xffff, v62  }
0x37b: {  	v8 =	vld.idx.msk [tilespmem:v8+s26+$0x0], $0xffff  }
0x37c: {  	v6 =	vld.idx.msk [tilespmem:v6+s26+$0x0], $0xffff;
	_ =	sdelay $0x1  }
0x37d: {  	v10 =	vmul.f32 v10, v12  }
0x37e: {  	v2 =	vmul.f32 v11, v2  }
0x37f: {  	[tilespmem:v9+s8+$0x0] =	vst.idx.add.f32.msk $0xffff, v10;
	v63 =	vmul.f32 v8, v4  }
0x380: {  	[tilespmem:v1+s8+$0x0] =	vst.idx.add.f32.msk $0xffff, v2;
	v1 =	vmul.f32 v6, v3  }
0x381: {  	[tilespmem:v5+s8+$0x0] =	vst.idx.add.f32.msk $0xffff, v63  }
0x382: {  	[tilespmem:v7+s8+$0x0] =	vst.idx.add.f32.msk $0xffff, v1  }
0x383: {  	s11 =	rddreg [dreg:$0xf]  }
0x384: {  	[hbm4b:s11+s2] =	stream.linear.scatter [tilespmem:s5], [sflag:$0x3], $0x1000, $0x38;
	[tilespmem:$0x1E000] =	vst v63  }
0x385: {  	_ = 	snop  }
0x386: {  	[hbm4b:s18+s2] =	stream.linear.scatter [tilespmem:s6], [sflag:$0x3], $0x1000, $0x38;
	[tilespmem:$0x1E000] =	vst v63  }
0x387: {  	_ = 	snop  }
0x388: {  	[hbm4b:s19+s2] =	stream.linear.scatter [tilespmem:s7], [sflag:$0x3], $0x1000, $0x38;
	[tilespmem:$0x1E000] =	vst v63  }
0x389: {  	_ = 	snop  }
0x38a: {  	[hbm4b:s20+s2] =	stream.linear.scatter [tilespmem:s8], [sflag:$0x3], $0x1000, $0x38;
	[tilespmem:$0x1E000] =	vst v63  }
0x38b: {  	_ =	swait.ge [sflag:s9], $0x1000  }
0x38c: {  	[sflag:s9] =	ssyncset.done $0x0  }
0x38d: {  	[sflag:s9] =	ssyncadd.s32 $0xFFFFF000  }
0x38e: {  	_ =	swait.ge [sflag:s9], $0x1000  }
0x38f: {  	[sflag:s9] =	ssyncset.done $0x0  }
0x390: {  	[sflag:s9] =	ssyncadd.s32 $0xFFFFF000  }
0x391: {  	_ =	swait.ge [sflag:s9], $0x1000  }
0x392: {  	[sflag:s9] =	ssyncset.done $0x0  }
0x393: {  	[sflag:s9] =	ssyncadd.s32 $0xFFFFF000  }
0x394: {  	_ =	swait.ge [sflag:s9], $0x1000  }
0x395: {  	[sflag:s9] =	ssyncset.done $0x0  }
0x396: {  	[sflag:s9] =	ssyncadd.s32 $0xFFFFF000  }
0x397: {  	_ =	swait.ge [sflag:s9], $0x1000  }
0x398: {  	[sflag:s9] =	ssyncset.done $0x0  }
0x399: {  	[sflag:s9] =	ssyncadd.s32 $0xFFFFF000  }
0x39a: {  	_ =	swait.ge [sflag:s9], $0x1000  }
0x39b: {  	[sflag:s9] =	ssyncset.done $0x0  }
0x39c: {  	s10 =	sadd.s32 $0x1, s10;
	[sflag:s9] =	ssyncadd.s32 $0xFFFFF000  }
0x39d: {  	p0 =	sne.s32 s10, s21;
	_ =	swait.ge [sflag:s9], $0x1000  }
.Ltmp12:
0x39e: {  	[sflag:s9] =	ssyncset.done $0x0;
	(pc) =	sbr.rel @p0 .LBB2_1-.Ltmp12, $4  }
0x39f: {  	[sflag:s9] =	ssyncadd.s32 $0xFFFFF000  }
0x3a0: {  	_ =	swait.ge [sflag:s9], $0x1000  }
0x3a1: {  	[sflag:s9] =	ssyncset.done $0x0  }
0x3a2: {  	[sflag:s9] =	ssyncadd.s32 $0xFFFFF000  }
0x3a3: {  	_ =	sfence.sel $0x180000  }
0x3a4: {  	[bflag:$0x0] =	sbarrier.arrive $0xFFFF  }
0x3a5: {  	_ =	strace $0x90000047  }
0x3a6: {  	s0 =	stileid.u32;
	[bflag:$0x2] =	sbarrier.arrive $0xFFFF  }
0x3a7: {  	p0 =	sne.s32 s0, $0x0;
	s0 =	rddreg [dreg:$0x2]  }
0x3a8: {  	s0 =	sadd.s32 @!p0 $0x100000, s0  }
0x3a9: {  	[sflag:s0] =	ssyncadd.tile.s32 @!p0 $0x1;
	_ =	shalt  }
.Lfunc_end2:
_tile_overlayer_lowered:
.L_overlay_start_2:
0x3aa: {  	(tag) =	ssettag $0x2  }
0x3ab: {  	s0 =	rddreg [dreg:$0x0];
	s2 =	stileid.u32  }
0x3ac: {  	s1 =	rddreg [dreg:$0x1];
	p0 =	sne.s32 s2, $0x0  }
0x3ad: {  	s3 =	rddreg [dreg:$0x2];
	[bflag:$0x3] =	sbarrier.arrive $0xFFFF;
	s2 =	simm.s32 @!p0 $0x1C04  }
0x3ae: {  	[timem:s3], [sflag:s2] =	dma.local @!p0 [hbm:s0], s1  }
0x3af: {  	s0 =	simm.s32 @!p0 $0x4  }
0x3b0: {  	_ =	swait.ge @!p0 [sflag:s0], s1  }
0x3b1: {  	s1 =	ssub.s32 @!p0 $0x0, s1;
	[sflag:s0] =	ssyncset.done @!p0 $0x0  }
0x3b2: {  	[sflag:s0] =	ssyncadd.s32 @!p0 s1  }
0x3b3: {  	[bflag:$0x3] =	sbarrier.arrive $0xFFFF  }
0x3b4: {  	_ =	shalt  }

</sc_bundles>
